<compile_context>
chip_gen: v7x
topology: tpu7x:2x2x1
jax: 0.10.2.dev20260603
libtpu: 0.0.44.dev20260713+nightly
codegen_flags: <defaults>
</compile_context>

<pallas_src>
import functools

import jax
import jax.numpy as jnp
from jax import lax
from jax.experimental import pallas as pl
from jax.experimental.pallas import tpu as pltpu
from jax.experimental.pallas import tpu_sc as plsc

D = 32
L = 16
NSC, NT = 2, 16
B = 16384
BPT = B // NT
PPS = D // NSC
NSLAB = BPT // 128
VG = 100001
VS = 1000001

_mesh = plsc.VectorSubcoreMesh(core_axis_name="c", subcore_axis_name="s")


@functools.partial(
    pl.kernel,
    out_type=jax.ShapeDtypeStruct((NSC, B), jnp.float32),
    mesh=_mesh,
    compiler_params=pltpu.CompilerParams(needs_layout_passes=False),
    scratch_types=[
        pltpu.VMEM_SHARED((VS,), jnp.float32),
        pltpu.VMEM_SHARED((VG,), jnp.float32),
        pltpu.VMEM((NSLAB, 128), jnp.int32),
        pltpu.VMEM((NSLAB, 128), jnp.int32),
        pltpu.VMEM((BPT,), jnp.float32),
        pltpu.VMEM((BPT,), jnp.float32),
        pltpu.VMEM((D, L), jnp.float32),
        pltpu.VMEM((L,), jnp.float32),
        pltpu.VMEM((BPT,), jnp.float32),
        pltpu.SemaphoreType.DMA,
    ],
)
def _nnmf_sc(gi_hbm, si_hbm, gt_hbm, st_hbm, w_hbm, b_hbm, out_hbm,
             sp_buf, gp_buf, gi_v, si_v, g_val, s_val, w_v, b_v, acc_v, sem):
    c = lax.axis_index("c")
    sid = lax.axis_index("s")
    pltpu.sync_copy(gi_hbm.at[sid], gi_v)
    pltpu.sync_copy(si_hbm.at[sid], si_v)
    pltpu.sync_copy(w_hbm, w_v)
    pltpu.sync_copy(b_hbm, b_v)

    bscale = jnp.where(c == 0, 1.0, 0.0).astype(jnp.float32)
    binit = b_v[...] * bscale
    def init_body(k, carry):
        acc_v[pl.ds(k * L, L)] = binit
        return carry
    lax.fori_loop(0, BPT // L, init_body, 0)

    def plane_body(dd, carry):
        d = c * PPS + dd
        q = d // 8
        s = d % 8
        @pl.when(sid == 0)
        def _():
            pltpu.sync_copy(st_hbm.at[q, s], sp_buf)

        @pl.when(sid == 1)
        def _():
            pltpu.sync_copy(gt_hbm.at[q, s], gp_buf)

        plsc.subcore_barrier()
        copies = []
        for j in range(NSLAB):
            copies.append(pltpu.async_copy(
                sp_buf.at[si_v.at[j]], s_val.at[pl.ds(j * 128, 128)], sem))
            copies.append(pltpu.async_copy(
                gp_buf.at[gi_v.at[j]], g_val.at[pl.ds(j * 128, 128)], sem))
        for cp in copies:
            cp.wait()
        plsc.subcore_barrier()
        wvec = w_v[d]
        def fma_body(k, carry):
            for u in range(8):
                i0 = k * (8 * L) + u * L
                acc_v[pl.ds(i0, L)] = (acc_v[pl.ds(i0, L)]
                                       + g_val[pl.ds(i0, L)]
                                       * s_val[pl.ds(i0, L)] * wvec)
            return carry
        lax.fori_loop(0, BPT // (8 * L), fma_body, 0)
        return carry

    lax.fori_loop(0, PPS, plane_body, 0)
    pltpu.sync_copy(acc_v, out_hbm.at[c].at[pl.ds(sid * BPT, BPT)])


def kernel(gene_indices, spot_indices, gene_table, spot_table, W, b):
    gi = gene_indices.astype(jnp.int32).reshape(NT, NSLAB, 128)
    si = spot_indices.astype(jnp.int32).reshape(NT, NSLAB, 128)
    gt = jnp.transpose(gene_table.astype(jnp.float32)).reshape(D // 8, 8, VG)
    st = jnp.transpose(spot_table.astype(jnp.float32)).reshape(D // 8, 8, VS)
    wsplat = jnp.broadcast_to(W.astype(jnp.float32), (D, L))
    bsplat = jnp.broadcast_to(b.astype(jnp.float32), (L,))
    partials = _nnmf_sc(gi, si, gt, st, wsplat, bsplat)
    return (partials[0] + partials[1]).reshape(B, 1)

# --- scband reference (transcript-rebuilt; emitter-appended) ---
"""Pipeline reference for scband-nnmf-10625749090687 (READ-ONLY COPY).

The authoritative reference and input builder live on the scoring server;
editing this copy changes nothing except your own understanding.
"""

import jax, jax.numpy as jnp
import numpy as np

NUM_GENES = 100000
NUM_SPOTS = 1000000
LATENT_DIM = 32
BATCH = 16384


def setup_inputs(seed: int = 0) -> dict:
    key = jax.random.key(seed)
    k1, k2, k3, k4, k5, k6 = jax.random.split(key, 6)
    gene_indices = jax.random.randint(k1, (BATCH,), 0, NUM_GENES, dtype=jnp.int64 if jax.config.jax_enable_x64 else jnp.int32)
    spot_indices = jax.random.randint(k2, (BATCH,), 0, NUM_SPOTS, dtype=jnp.int64 if jax.config.jax_enable_x64 else jnp.int32)
    # learned parameters (match torch init: N(0, 0.1) for embeddings)
    gene_table = 0.1 * jax.random.normal(k3, (NUM_GENES + 1, LATENT_DIM), dtype=jnp.float32)
    spot_table = 0.1 * jax.random.normal(k4, (NUM_SPOTS + 1, LATENT_DIM), dtype=jnp.float32)
    # nn.Linear(latent_dim, 1) default init: U(-1/sqrt(fan_in), 1/sqrt(fan_in))
    bound = 1.0 / np.sqrt(LATENT_DIM)
    W = jax.random.uniform(k5, (LATENT_DIM, 1), minval=-bound, maxval=bound, dtype=jnp.float32)
    b = jax.random.uniform(k6, (1,), minval=-bound, maxval=bound, dtype=jnp.float32)
    return {"gene_indices": gene_indices, "spot_indices": spot_indices,
            "gene_table": gene_table, "spot_table": spot_table, "W": W, "b": b}


def reference(gene_indices, spot_indices, gene_table, spot_table, W, b):
    # embedding lookups (gather)
    gene_embedding = jnp.take(gene_table, gene_indices, axis=0).astype(jnp.float32)
    spot_embedding = jnp.take(spot_table, spot_indices, axis=0).astype(jnp.float32)
    x = gene_embedding * spot_embedding
    output = x @ W + b
    return output

if __name__ == "__main__":
    import jax
    _d = setup_inputs()
    print(jax.jit(kernel)(*tuple(_d.values())))

</pallas_src>

<mosaic_0001>
#map = affine_map<(d0, d1) -> (0, 0, 0)>
#map1 = affine_map<(d0, d1) -> (0, 0)>
#map2 = affine_map<(d0, d1) -> (0)>
module attributes {stable_mosaic.version = 14 : i64} {
  func.func @_nnmf_sc(%arg0: i32, %arg1: i32, %arg2: memref<16x8x128xi32, #tpu.memory_space<hbm>>, %arg3: memref<16x8x128xi32, #tpu.memory_space<hbm>>, %arg4: memref<4x8x100001xf32, #tpu.memory_space<hbm>>, %arg5: memref<4x8x1000001xf32, #tpu.memory_space<hbm>>, %arg6: memref<32x16xf32, #tpu.memory_space<hbm>>, %arg7: memref<16xf32, #tpu.memory_space<hbm>>, %arg8: memref<2x16384xf32, #tpu.memory_space<hbm>>, %arg9: memref<1000001xf32, #tpu.memory_space<vmem_shared>>, %arg10: memref<100001xf32, #tpu.memory_space<vmem_shared>>, %arg11: memref<8x128xi32, #tpu.memory_space<vmem>>, %arg12: memref<8x128xi32, #tpu.memory_space<vmem>>, %arg13: memref<1024xf32, #tpu.memory_space<vmem>>, %arg14: memref<1024xf32, #tpu.memory_space<vmem>>, %arg15: memref<32x16xf32, #tpu.memory_space<vmem>>, %arg16: memref<16xf32, #tpu.memory_space<vmem>>, %arg17: memref<1024xf32, #tpu.memory_space<vmem>>, %arg18: memref<!tpu.dma_semaphore, #tpu.memory_space<semaphore_mem>>) attributes {dimension_semantics = [#tpu.dimension_semantics<core_parallel>, #tpu.dimension_semantics<subcore_parallel>], iteration_bounds = array<i64: 2, 16>, scalar_prefetch = 0 : i64, scratch_operands = 10 : i64, tpu.core_type = #tpu.core_type<sc_vector_subcore>, window_params = [{transform_indices = #map}, {transform_indices = #map}, {transform_indices = #map}, {transform_indices = #map}, {transform_indices = #map1}, {transform_indices = #map2}, {transform_indices = #map1}]} {
    "tpu.region"() ({
      %run_scoped3A = tpu.sem_alloc : memref<!tpu.dma_semaphore, #tpu.memory_space<semaphore_mem>>
      %dma_start3A = arith.constant 0 : i32
      %dma_start3A_17 = arith.constant 0 : i32
      %dma_start3A_18 = tpu.memref_slice %arg2[%arg1, %dma_start3A, %dma_start3A_17] : memref<16x8x128xi32, #tpu.memory_space<hbm>> -> memref<1x8x128xi32, #tpu.memory_space<hbm>>
      %dma_start3A_19 = tpu.memref_squeeze %dma_start3A_18 : memref<1x8x128xi32, #tpu.memory_space<hbm>> -> memref<8x128xi32, #tpu.memory_space<hbm>>
      %dma_start3A_20 = arith.constant 0 : i32
      %dma_start3A_21 = arith.constant 0 : i32
      %dma_start3A_22 = tpu.memref_slice %arg2[%arg1, %dma_start3A_20, %dma_start3A_21] : memref<16x8x128xi32, #tpu.memory_space<hbm>> -> memref<1x8x128xi32, #tpu.memory_space<hbm>>
      %dma_start3A_23 = tpu.memref_squeeze %dma_start3A_22 : memref<1x8x128xi32, #tpu.memory_space<hbm>> -> memref<8x128xi32, #tpu.memory_space<hbm>>
      tpu.enqueue_dma source(%dma_start3A_23 : memref<8x128xi32, #tpu.memory_space<hbm>>) target(%arg11 : memref<8x128xi32, #tpu.memory_space<vmem>>) target_semaphore(%run_scoped3A : memref<!tpu.dma_semaphore, #tpu.memory_space<semaphore_mem>>)
      %dma_wait3A = arith.constant 0 : i32
      %dma_wait3A_24 = arith.constant 0 : i32
      %dma_wait3A_25 = tpu.memref_slice %arg2[%arg1, %dma_wait3A, %dma_wait3A_24] : memref<16x8x128xi32, #tpu.memory_space<hbm>> -> memref<1x8x128xi32, #tpu.memory_space<hbm>>
      %dma_wait3A_26 = tpu.memref_squeeze %dma_wait3A_25 : memref<1x8x128xi32, #tpu.memory_space<hbm>> -> memref<8x128xi32, #tpu.memory_space<hbm>>
      %dma_wait3A_27 = arith.constant 0 : i32
      %dma_wait3A_28 = arith.constant 0 : i32
      %dma_wait3A_29 = tpu.memref_slice %arg2[%arg1, %dma_wait3A_27, %dma_wait3A_28] : memref<16x8x128xi32, #tpu.memory_space<hbm>> -> memref<1x8x128xi32, #tpu.memory_space<hbm>>
      %dma_wait3A_30 = tpu.memref_squeeze %dma_wait3A_29 : memref<1x8x128xi32, #tpu.memory_space<hbm>> -> memref<8x128xi32, #tpu.memory_space<hbm>>
      tpu.wait_dma2 semaphore(%run_scoped3A : memref<!tpu.dma_semaphore, #tpu.memory_space<semaphore_mem>>) src(%dma_wait3A_30 : memref<8x128xi32, #tpu.memory_space<hbm>>) dst(%arg11 : memref<8x128xi32, #tpu.memory_space<vmem>>)
      tpu.yield
    }) : () -> ()
    "tpu.region"() ({
      %run_scoped3A = tpu.sem_alloc : memref<!tpu.dma_semaphore, #tpu.memory_space<semaphore_mem>>
      %dma_start3A = arith.constant 0 : i32
      %dma_start3A_17 = arith.constant 0 : i32
      %dma_start3A_18 = tpu.memref_slice %arg3[%arg1, %dma_start3A, %dma_start3A_17] : memref<16x8x128xi32, #tpu.memory_space<hbm>> -> memref<1x8x128xi32, #tpu.memory_space<hbm>>
      %dma_start3A_19 = tpu.memref_squeeze %dma_start3A_18 : memref<1x8x128xi32, #tpu.memory_space<hbm>> -> memref<8x128xi32, #tpu.memory_space<hbm>>
      %dma_start3A_20 = arith.constant 0 : i32
      %dma_start3A_21 = arith.constant 0 : i32
      %dma_start3A_22 = tpu.memref_slice %arg3[%arg1, %dma_start3A_20, %dma_start3A_21] : memref<16x8x128xi32, #tpu.memory_space<hbm>> -> memref<1x8x128xi32, #tpu.memory_space<hbm>>
      %dma_start3A_23 = tpu.memref_squeeze %dma_start3A_22 : memref<1x8x128xi32, #tpu.memory_space<hbm>> -> memref<8x128xi32, #tpu.memory_space<hbm>>
      tpu.enqueue_dma source(%dma_start3A_23 : memref<8x128xi32, #tpu.memory_space<hbm>>) target(%arg12 : memref<8x128xi32, #tpu.memory_space<vmem>>) target_semaphore(%run_scoped3A : memref<!tpu.dma_semaphore, #tpu.memory_space<semaphore_mem>>)
      %dma_wait3A = arith.constant 0 : i32
      %dma_wait3A_24 = arith.constant 0 : i32
      %dma_wait3A_25 = tpu.memref_slice %arg3[%arg1, %dma_wait3A, %dma_wait3A_24] : memref<16x8x128xi32, #tpu.memory_space<hbm>> -> memref<1x8x128xi32, #tpu.memory_space<hbm>>
      %dma_wait3A_26 = tpu.memref_squeeze %dma_wait3A_25 : memref<1x8x128xi32, #tpu.memory_space<hbm>> -> memref<8x128xi32, #tpu.memory_space<hbm>>
      %dma_wait3A_27 = arith.constant 0 : i32
      %dma_wait3A_28 = arith.constant 0 : i32
      %dma_wait3A_29 = tpu.memref_slice %arg3[%arg1, %dma_wait3A_27, %dma_wait3A_28] : memref<16x8x128xi32, #tpu.memory_space<hbm>> -> memref<1x8x128xi32, #tpu.memory_space<hbm>>
      %dma_wait3A_30 = tpu.memref_squeeze %dma_wait3A_29 : memref<1x8x128xi32, #tpu.memory_space<hbm>> -> memref<8x128xi32, #tpu.memory_space<hbm>>
      tpu.wait_dma2 semaphore(%run_scoped3A : memref<!tpu.dma_semaphore, #tpu.memory_space<semaphore_mem>>) src(%dma_wait3A_30 : memref<8x128xi32, #tpu.memory_space<hbm>>) dst(%arg12 : memref<8x128xi32, #tpu.memory_space<vmem>>)
      tpu.yield
    }) : () -> ()
    "tpu.region"() ({
      %run_scoped3A = tpu.sem_alloc : memref<!tpu.dma_semaphore, #tpu.memory_space<semaphore_mem>>
      tpu.enqueue_dma source(%arg6 : memref<32x16xf32, #tpu.memory_space<hbm>>) target(%arg15 : memref<32x16xf32, #tpu.memory_space<vmem>>) target_semaphore(%run_scoped3A : memref<!tpu.dma_semaphore, #tpu.memory_space<semaphore_mem>>)
      tpu.wait_dma2 semaphore(%run_scoped3A : memref<!tpu.dma_semaphore, #tpu.memory_space<semaphore_mem>>) src(%arg6 : memref<32x16xf32, #tpu.memory_space<hbm>>) dst(%arg15 : memref<32x16xf32, #tpu.memory_space<vmem>>)
      tpu.yield
    }) : () -> ()
    "tpu.region"() ({
      %run_scoped3A = tpu.sem_alloc : memref<!tpu.dma_semaphore, #tpu.memory_space<semaphore_mem>>
      tpu.enqueue_dma source(%arg7 : memref<16xf32, #tpu.memory_space<hbm>>) target(%arg16 : memref<16xf32, #tpu.memory_space<vmem>>) target_semaphore(%run_scoped3A : memref<!tpu.dma_semaphore, #tpu.memory_space<semaphore_mem>>)
      tpu.wait_dma2 semaphore(%run_scoped3A : memref<!tpu.dma_semaphore, #tpu.memory_space<semaphore_mem>>) src(%arg7 : memref<16xf32, #tpu.memory_space<hbm>>) dst(%arg16 : memref<16xf32, #tpu.memory_space<vmem>>)
      tpu.yield
    }) : () -> ()
    %eq3A = arith.constant 0 : i32
    %eq3A_0 = arith.cmpi eq, %arg0, %eq3A : i32
    %jit3A = arith.constant 1.000000e+00 : f32
    %jit3A_1 = arith.constant 0.000000e+00 : f32
    %select_n3A = arith.select %eq3A_0, %jit3A, %jit3A_1 : f32
    %get3A = arith.constant 0 : index
    %get3A_2 = tpu.vector_load %arg16[%get3A] {strides = array<i32>} : memref<16xf32, #tpu.memory_space<vmem>>, vector<16xf32>,
    %mul3A = vector.broadcast %select_n3A : f32 to vector<16xf32>
    %mul3A_3 = arith.mulf %get3A_2, %mul3A : vector<16xf32>
    %scan3A = arith.constant 0 : i32
    %scan3A_4 = arith.constant 0 : i32
    %scan3A_5 = arith.constant 64 : i32
    %scan3A_6 = arith.addi %scan3A_4, %scan3A_5 : i32
    %scan3A_7 = arith.constant 1 : i32
    scf.for %scan3A_17 = %scan3A_4 to %scan3A_6 step %scan3A_7  : i32 {
      %mul3A_18 = arith.constant 16 : i32
      %mul3A_19 = arith.muli %scan3A_17, %mul3A_18 : i32
      %swap3A = arith.index_cast %mul3A_19 : i32 to index
      %swap3A_20 = tpu.vector_load %arg17[%swap3A] {strides = array<i32>} : memref<1024xf32, #tpu.memory_space<vmem>>, vector<16xf32>,
      tpu.vector_store %arg17[%swap3A], %mul3A_3 {strides = array<i32>} : memref<1024xf32, #tpu.memory_space<vmem>>, vector<16xf32>,
    }
    %scan3A_8 = arith.constant 64 : i32
    %scan3A_9 = arith.constant 0 : i32
    %scan3A_10 = arith.constant 0 : i32
    %scan3A_11 = arith.constant 16 : i32
    %scan3A_12 = arith.addi %scan3A_10, %scan3A_11 : i32
    %scan3A_13 = arith.constant 1 : i32
    scf.for %scan3A_17 = %scan3A_10 to %scan3A_12 step %scan3A_13  : i32 {
      %mul3A_18 = arith.constant 16 : i32
      %mul3A_19 = arith.muli %arg0, %mul3A_18 : i32
      %add3A = arith.addi %mul3A_19, %scan3A_17 : i32
      %jit3A_20 = arith.constant 8 : i32
      %div3A = arith.divsi %add3A, %jit3A_20 : i32
      %sign3A = arith.constant 0 : i32
      %sign3A_21 = arith.cmpi sgt, %add3A, %sign3A : i32
      %sign3A_22 = arith.extui %sign3A_21 : i1 to i32
      %sign3A_23 = arith.constant 0 : i32
      %sign3A_24 = arith.cmpi slt, %add3A, %sign3A_23 : i32
      %sign3A_25 = arith.extui %sign3A_24 : i1 to i32
      %sign3A_26 = arith.subi %sign3A_22, %sign3A_25 : i32
      %sign3A_27 = arith.constant 0 : i32
      %sign3A_28 = arith.cmpi sgt, %jit3A_20, %sign3A_27 : i32
      %sign3A_29 = arith.extui %sign3A_28 : i1 to i32
      %sign3A_30 = arith.constant 0 : i32
      %sign3A_31 = arith.cmpi slt, %jit3A_20, %sign3A_30 : i32
      %sign3A_32 = arith.extui %sign3A_31 : i1 to i32
      %sign3A_33 = arith.subi %sign3A_29, %sign3A_32 : i32
      %ne3A = arith.cmpi ne, %sign3A_26, %sign3A_33 : i32
      %rem3A = arith.remsi %add3A, %jit3A_20 : i32
      %ne3A_34 = arith.constant 0 : i32
      %ne3A_35 = arith.cmpi ne, %rem3A, %ne3A_34 : i32
      %and3A = arith.andi %ne3A, %ne3A_35 : i1
      %sub3A = arith.constant 1 : i32
      %sub3A_36 = arith.subi %div3A, %sub3A : i32
      %select_n3A_37 = arith.select %and3A, %sub3A_36, %div3A : i32
      %jit3A_38 = arith.constant 8 : i32
      %eq3A_39 = arith.constant 0 : i32
      %eq3A_40 = arith.cmpi eq, %jit3A_38, %eq3A_39 : i32
      %jit3A_41 = arith.constant 1 : i32
      %select_n3A_42 = arith.select %eq3A_40, %jit3A_41, %jit3A_38 : i32
      %rem3A_43 = arith.remsi %add3A, %select_n3A_42 : i32
      %ne3A_44 = arith.constant 0 : i32
      %ne3A_45 = arith.cmpi ne, %rem3A_43, %ne3A_44 : i32
      %lt3A = arith.constant 0 : i32
      %lt3A_46 = arith.cmpi slt, %rem3A_43, %lt3A : i32
      %lt3A_47 = arith.constant 0 : i32
      %lt3A_48 = arith.cmpi slt, %select_n3A_42, %lt3A_47 : i32
      %ne3A_49 = arith.xori %lt3A_46, %lt3A_48 : i1
      %and3A_50 = arith.andi %ne3A_49, %ne3A_45 : i1
      %add3A_51 = arith.addi %rem3A_43, %select_n3A_42 : i32
      %select_n3A_52 = arith.select %and3A_50, %add3A_51, %rem3A_43 : i32
      %eq3A_53 = arith.constant 0 : i32
      %eq3A_54 = arith.cmpi eq, %arg1, %eq3A_53 : i32
      %convert_element_type3A = arith.extui %eq3A_54 : i1 to i32
      %cond3A = arith.constant 0 : i32
      %cond3A_55 = arith.cmpi ne, %convert_element_type3A, %cond3A : i32
      scf.if %cond3A_55 {
        "tpu.region"() ({
          %run_scoped3A = tpu.sem_alloc : memref<!tpu.dma_semaphore, #tpu.memory_space<semaphore_mem>>
          %dma_start3A_325 = arith.constant 0 : i32
          %dma_start3A_326 = tpu.memref_slice %arg5[%select_n3A_37, %select_n3A_52, %dma_start3A_325] : memref<4x8x1000001xf32, #tpu.memory_space<hbm>> -> memref<1x1x1000001xf32, #tpu.memory_space<hbm>>
          %dma_start3A_327 = tpu.memref_squeeze %dma_start3A_326 : memref<1x1x1000001xf32, #tpu.memory_space<hbm>> -> memref<1000001xf32, #tpu.memory_space<hbm>>
          tpu.enqueue_dma source(%dma_start3A_327 : memref<1000001xf32, #tpu.memory_space<hbm>>) target(%arg9 : memref<1000001xf32, #tpu.memory_space<vmem_shared>>) target_semaphore(%run_scoped3A : memref<!tpu.dma_semaphore, #tpu.memory_space<semaphore_mem>>)
          %dma_wait3A_328 = arith.constant 0 : i32
          %dma_wait3A_329 = tpu.memref_slice %arg5[%select_n3A_37, %select_n3A_52, %dma_wait3A_328] : memref<4x8x1000001xf32, #tpu.memory_space<hbm>> -> memref<1x1x1000001xf32, #tpu.memory_space<hbm>>
          %dma_wait3A_330 = tpu.memref_squeeze %dma_wait3A_329 : memref<1x1x1000001xf32, #tpu.memory_space<hbm>> -> memref<1000001xf32, #tpu.memory_space<hbm>>
          tpu.wait_dma2 semaphore(%run_scoped3A : memref<!tpu.dma_semaphore, #tpu.memory_space<semaphore_mem>>) src(%dma_wait3A_330 : memref<1000001xf32, #tpu.memory_space<hbm>>) dst(%arg9 : memref<1000001xf32, #tpu.memory_space<vmem_shared>>)
          tpu.yield
        }) : () -> ()
      } else {
      }
      %eq3A_56 = arith.constant 1 : i32
      %eq3A_57 = arith.cmpi eq, %arg1, %eq3A_56 : i32
      %convert_element_type3A_58 = arith.extui %eq3A_57 : i1 to i32
      %cond3A_59 = arith.constant 0 : i32
      %cond3A_60 = arith.cmpi ne, %convert_element_type3A_58, %cond3A_59 : i32
      scf.if %cond3A_60 {
        "tpu.region"() ({
          %run_scoped3A = tpu.sem_alloc : memref<!tpu.dma_semaphore, #tpu.memory_space<semaphore_mem>>
          %dma_start3A_325 = arith.constant 0 : i32
          %dma_start3A_326 = tpu.memref_slice %arg4[%select_n3A_37, %select_n3A_52, %dma_start3A_325] : memref<4x8x100001xf32, #tpu.memory_space<hbm>> -> memref<1x1x100001xf32, #tpu.memory_space<hbm>>
          %dma_start3A_327 = tpu.memref_squeeze %dma_start3A_326 : memref<1x1x100001xf32, #tpu.memory_space<hbm>> -> memref<100001xf32, #tpu.memory_space<hbm>>
          tpu.enqueue_dma source(%dma_start3A_327 : memref<100001xf32, #tpu.memory_space<hbm>>) target(%arg10 : memref<100001xf32, #tpu.memory_space<vmem_shared>>) target_semaphore(%run_scoped3A : memref<!tpu.dma_semaphore, #tpu.memory_space<semaphore_mem>>)
          %dma_wait3A_328 = arith.constant 0 : i32
          %dma_wait3A_329 = tpu.memref_slice %arg4[%select_n3A_37, %select_n3A_52, %dma_wait3A_328] : memref<4x8x100001xf32, #tpu.memory_space<hbm>> -> memref<1x1x100001xf32, #tpu.memory_space<hbm>>
          %dma_wait3A_330 = tpu.memref_squeeze %dma_wait3A_329 : memref<1x1x100001xf32, #tpu.memory_space<hbm>> -> memref<100001xf32, #tpu.memory_space<hbm>>
          tpu.wait_dma2 semaphore(%run_scoped3A : memref<!tpu.dma_semaphore, #tpu.memory_space<semaphore_mem>>) src(%dma_wait3A_330 : memref<100001xf32, #tpu.memory_space<hbm>>) dst(%arg10 : memref<100001xf32, #tpu.memory_space<vmem_shared>>)
          tpu.yield
        }) : () -> ()
      } else {
      }
      %barrier3A = arith.constant 0 : index
      tpu.barrier barrier_id(%barrier3A)
      %dma_start3A = arith.constant 0 : i32
      %dma_start3A_61 = arith.constant 0 : i32
      %dma_start3A_62 = tpu.memref_slice %arg14[%dma_start3A_61] : memref<1024xf32, #tpu.memory_space<vmem>> -> memref<128xf32, #tpu.memory_space<vmem>>
      %dma_start3A_63 = arith.constant 0 : i32
      %dma_start3A_64 = tpu.memref_slice %arg12[%dma_start3A, %dma_start3A_63] : memref<8x128xi32, #tpu.memory_space<vmem>> -> memref<1x128xi32, #tpu.memory_space<vmem>>
      %dma_start3A_65 = tpu.memref_squeeze %dma_start3A_64 : memref<1x128xi32, #tpu.memory_space<vmem>> -> memref<128xi32, #tpu.memory_space<vmem>>
      %dma_start3A_66 = arith.constant 0 : i32
      %dma_start3A_67 = tpu.memref_slice %arg9[%dma_start3A_66] : memref<1000001xf32, #tpu.memory_space<vmem_shared>> -> memref<1000001xf32, #tpu.memory_space<vmem_shared>>
      tpu.enqueue_indirect_dma source(%dma_start3A_67 : memref<1000001xf32, #tpu.memory_space<vmem_shared>>) target(%dma_start3A_62 : memref<128xf32, #tpu.memory_space<vmem>>) offsets(%dma_start3A_65 : memref<128xi32, #tpu.memory_space<vmem>>) semaphore(%arg18 : memref<!tpu.dma_semaphore, #tpu.memory_space<semaphore_mem>>)
      %dma_start3A_68 = arith.constant 0 : i32
      %dma_start3A_69 = arith.constant 0 : i32
      %dma_start3A_70 = tpu.memref_slice %arg13[%dma_start3A_69] : memref<1024xf32, #tpu.memory_space<vmem>> -> memref<128xf32, #tpu.memory_space<vmem>>
      %dma_start3A_71 = arith.constant 0 : i32
      %dma_start3A_72 = tpu.memref_slice %arg11[%dma_start3A_68, %dma_start3A_71] : memref<8x128xi32, #tpu.memory_space<vmem>> -> memref<1x128xi32, #tpu.memory_space<vmem>>
      %dma_start3A_73 = tpu.memref_squeeze %dma_start3A_72 : memref<1x128xi32, #tpu.memory_space<vmem>> -> memref<128xi32, #tpu.memory_space<vmem>>
      %dma_start3A_74 = arith.constant 0 : i32
      %dma_start3A_75 = tpu.memref_slice %arg10[%dma_start3A_74] : memref<100001xf32, #tpu.memory_space<vmem_shared>> -> memref<100001xf32, #tpu.memory_space<vmem_shared>>
      tpu.enqueue_indirect_dma source(%dma_start3A_75 : memref<100001xf32, #tpu.memory_space<vmem_shared>>) target(%dma_start3A_70 : memref<128xf32, #tpu.memory_space<vmem>>) offsets(%dma_start3A_73 : memref<128xi32, #tpu.memory_space<vmem>>) semaphore(%arg18 : memref<!tpu.dma_semaphore, #tpu.memory_space<semaphore_mem>>)
      %dma_start3A_76 = arith.constant 1 : i32
      %dma_start3A_77 = arith.constant 128 : i32
      %dma_start3A_78 = tpu.memref_slice %arg14[%dma_start3A_77] : memref<1024xf32, #tpu.memory_space<vmem>> -> memref<128xf32, #tpu.memory_space<vmem>>
      %dma_start3A_79 = arith.constant 0 : i32
      %dma_start3A_80 = tpu.memref_slice %arg12[%dma_start3A_76, %dma_start3A_79] : memref<8x128xi32, #tpu.memory_space<vmem>> -> memref<1x128xi32, #tpu.memory_space<vmem>>
      %dma_start3A_81 = tpu.memref_squeeze %dma_start3A_80 : memref<1x128xi32, #tpu.memory_space<vmem>> -> memref<128xi32, #tpu.memory_space<vmem>>
      %dma_start3A_82 = arith.constant 0 : i32
      %dma_start3A_83 = tpu.memref_slice %arg9[%dma_start3A_82] : memref<1000001xf32, #tpu.memory_space<vmem_shared>> -> memref<1000001xf32, #tpu.memory_space<vmem_shared>>
      tpu.enqueue_indirect_dma source(%dma_start3A_83 : memref<1000001xf32, #tpu.memory_space<vmem_shared>>) target(%dma_start3A_78 : memref<128xf32, #tpu.memory_space<vmem>>) offsets(%dma_start3A_81 : memref<128xi32, #tpu.memory_space<vmem>>) semaphore(%arg18 : memref<!tpu.dma_semaphore, #tpu.memory_space<semaphore_mem>>)
      %dma_start3A_84 = arith.constant 1 : i32
      %dma_start3A_85 = arith.constant 128 : i32
      %dma_start3A_86 = tpu.memref_slice %arg13[%dma_start3A_85] : memref<1024xf32, #tpu.memory_space<vmem>> -> memref<128xf32, #tpu.memory_space<vmem>>
      %dma_start3A_87 = arith.constant 0 : i32
      %dma_start3A_88 = tpu.memref_slice %arg11[%dma_start3A_84, %dma_start3A_87] : memref<8x128xi32, #tpu.memory_space<vmem>> -> memref<1x128xi32, #tpu.memory_space<vmem>>
      %dma_start3A_89 = tpu.memref_squeeze %dma_start3A_88 : memref<1x128xi32, #tpu.memory_space<vmem>> -> memref<128xi32, #tpu.memory_space<vmem>>
      %dma_start3A_90 = arith.constant 0 : i32
      %dma_start3A_91 = tpu.memref_slice %arg10[%dma_start3A_90] : memref<100001xf32, #tpu.memory_space<vmem_shared>> -> memref<100001xf32, #tpu.memory_space<vmem_shared>>
      tpu.enqueue_indirect_dma source(%dma_start3A_91 : memref<100001xf32, #tpu.memory_space<vmem_shared>>) target(%dma_start3A_86 : memref<128xf32, #tpu.memory_space<vmem>>) offsets(%dma_start3A_89 : memref<128xi32, #tpu.memory_space<vmem>>) semaphore(%arg18 : memref<!tpu.dma_semaphore, #tpu.memory_space<semaphore_mem>>)
      %dma_start3A_92 = arith.constant 2 : i32
      %dma_start3A_93 = arith.constant 256 : i32
      %dma_start3A_94 = tpu.memref_slice %arg14[%dma_start3A_93] : memref<1024xf32, #tpu.memory_space<vmem>> -> memref<128xf32, #tpu.memory_space<vmem>>
      %dma_start3A_95 = arith.constant 0 : i32
      %dma_start3A_96 = tpu.memref_slice %arg12[%dma_start3A_92, %dma_start3A_95] : memref<8x128xi32, #tpu.memory_space<vmem>> -> memref<1x128xi32, #tpu.memory_space<vmem>>
      %dma_start3A_97 = tpu.memref_squeeze %dma_start3A_96 : memref<1x128xi32, #tpu.memory_space<vmem>> -> memref<128xi32, #tpu.memory_space<vmem>>
      %dma_start3A_98 = arith.constant 0 : i32
      %dma_start3A_99 = tpu.memref_slice %arg9[%dma_start3A_98] : memref<1000001xf32, #tpu.memory_space<vmem_shared>> -> memref<1000001xf32, #tpu.memory_space<vmem_shared>>
      tpu.enqueue_indirect_dma source(%dma_start3A_99 : memref<1000001xf32, #tpu.memory_space<vmem_shared>>) target(%dma_start3A_94 : memref<128xf32, #tpu.memory_space<vmem>>) offsets(%dma_start3A_97 : memref<128xi32, #tpu.memory_space<vmem>>) semaphore(%arg18 : memref<!tpu.dma_semaphore, #tpu.memory_space<semaphore_mem>>)
      %dma_start3A_100 = arith.constant 2 : i32
      %dma_start3A_101 = arith.constant 256 : i32
      %dma_start3A_102 = tpu.memref_slice %arg13[%dma_start3A_101] : memref<1024xf32, #tpu.memory_space<vmem>> -> memref<128xf32, #tpu.memory_space<vmem>>
      %dma_start3A_103 = arith.constant 0 : i32
      %dma_start3A_104 = tpu.memref_slice %arg11[%dma_start3A_100, %dma_start3A_103] : memref<8x128xi32, #tpu.memory_space<vmem>> -> memref<1x128xi32, #tpu.memory_space<vmem>>
      %dma_start3A_105 = tpu.memref_squeeze %dma_start3A_104 : memref<1x128xi32, #tpu.memory_space<vmem>> -> memref<128xi32, #tpu.memory_space<vmem>>
      %dma_start3A_106 = arith.constant 0 : i32
      %dma_start3A_107 = tpu.memref_slice %arg10[%dma_start3A_106] : memref<100001xf32, #tpu.memory_space<vmem_shared>> -> memref<100001xf32, #tpu.memory_space<vmem_shared>>
      tpu.enqueue_indirect_dma source(%dma_start3A_107 : memref<100001xf32, #tpu.memory_space<vmem_shared>>) target(%dma_start3A_102 : memref<128xf32, #tpu.memory_space<vmem>>) offsets(%dma_start3A_105 : memref<128xi32, #tpu.memory_space<vmem>>) semaphore(%arg18 : memref<!tpu.dma_semaphore, #tpu.memory_space<semaphore_mem>>)
      %dma_start3A_108 = arith.constant 3 : i32
      %dma_start3A_109 = arith.constant 384 : i32
      %dma_start3A_110 = tpu.memref_slice %arg14[%dma_start3A_109] : memref<1024xf32, #tpu.memory_space<vmem>> -> memref<128xf32, #tpu.memory_space<vmem>>
      %dma_start3A_111 = arith.constant 0 : i32
      %dma_start3A_112 = tpu.memref_slice %arg12[%dma_start3A_108, %dma_start3A_111] : memref<8x128xi32, #tpu.memory_space<vmem>> -> memref<1x128xi32, #tpu.memory_space<vmem>>
      %dma_start3A_113 = tpu.memref_squeeze %dma_start3A_112 : memref<1x128xi32, #tpu.memory_space<vmem>> -> memref<128xi32, #tpu.memory_space<vmem>>
      %dma_start3A_114 = arith.constant 0 : i32
      %dma_start3A_115 = tpu.memref_slice %arg9[%dma_start3A_114] : memref<1000001xf32, #tpu.memory_space<vmem_shared>> -> memref<1000001xf32, #tpu.memory_space<vmem_shared>>
      tpu.enqueue_indirect_dma source(%dma_start3A_115 : memref<1000001xf32, #tpu.memory_space<vmem_shared>>) target(%dma_start3A_110 : memref<128xf32, #tpu.memory_space<vmem>>) offsets(%dma_start3A_113 : memref<128xi32, #tpu.memory_space<vmem>>) semaphore(%arg18 : memref<!tpu.dma_semaphore, #tpu.memory_space<semaphore_mem>>)
      %dma_start3A_116 = arith.constant 3 : i32
      %dma_start3A_117 = arith.constant 384 : i32
      %dma_start3A_118 = tpu.memref_slice %arg13[%dma_start3A_117] : memref<1024xf32, #tpu.memory_space<vmem>> -> memref<128xf32, #tpu.memory_space<vmem>>
      %dma_start3A_119 = arith.constant 0 : i32
      %dma_start3A_120 = tpu.memref_slice %arg11[%dma_start3A_116, %dma_start3A_119] : memref<8x128xi32, #tpu.memory_space<vmem>> -> memref<1x128xi32, #tpu.memory_space<vmem>>
      %dma_start3A_121 = tpu.memref_squeeze %dma_start3A_120 : memref<1x128xi32, #tpu.memory_space<vmem>> -> memref<128xi32, #tpu.memory_space<vmem>>
      %dma_start3A_122 = arith.constant 0 : i32
      %dma_start3A_123 = tpu.memref_slice %arg10[%dma_start3A_122] : memref<100001xf32, #tpu.memory_space<vmem_shared>> -> memref<100001xf32, #tpu.memory_space<vmem_shared>>
      tpu.enqueue_indirect_dma source(%dma_start3A_123 : memref<100001xf32, #tpu.memory_space<vmem_shared>>) target(%dma_start3A_118 : memref<128xf32, #tpu.memory_space<vmem>>) offsets(%dma_start3A_121 : memref<128xi32, #tpu.memory_space<vmem>>) semaphore(%arg18 : memref<!tpu.dma_semaphore, #tpu.memory_space<semaphore_mem>>)
      %dma_start3A_124 = arith.constant 4 : i32
      %dma_start3A_125 = arith.constant 512 : i32
      %dma_start3A_126 = tpu.memref_slice %arg14[%dma_start3A_125] : memref<1024xf32, #tpu.memory_space<vmem>> -> memref<128xf32, #tpu.memory_space<vmem>>
      %dma_start3A_127 = arith.constant 0 : i32
      %dma_start3A_128 = tpu.memref_slice %arg12[%dma_start3A_124, %dma_start3A_127] : memref<8x128xi32, #tpu.memory_space<vmem>> -> memref<1x128xi32, #tpu.memory_space<vmem>>
      %dma_start3A_129 = tpu.memref_squeeze %dma_start3A_128 : memref<1x128xi32, #tpu.memory_space<vmem>> -> memref<128xi32, #tpu.memory_space<vmem>>
      %dma_start3A_130 = arith.constant 0 : i32
      %dma_start3A_131 = tpu.memref_slice %arg9[%dma_start3A_130] : memref<1000001xf32, #tpu.memory_space<vmem_shared>> -> memref<1000001xf32, #tpu.memory_space<vmem_shared>>
      tpu.enqueue_indirect_dma source(%dma_start3A_131 : memref<1000001xf32, #tpu.memory_space<vmem_shared>>) target(%dma_start3A_126 : memref<128xf32, #tpu.memory_space<vmem>>) offsets(%dma_start3A_129 : memref<128xi32, #tpu.memory_space<vmem>>) semaphore(%arg18 : memref<!tpu.dma_semaphore, #tpu.memory_space<semaphore_mem>>)
      %dma_start3A_132 = arith.constant 4 : i32
      %dma_start3A_133 = arith.constant 512 : i32
      %dma_start3A_134 = tpu.memref_slice %arg13[%dma_start3A_133] : memref<1024xf32, #tpu.memory_space<vmem>> -> memref<128xf32, #tpu.memory_space<vmem>>
      %dma_start3A_135 = arith.constant 0 : i32
      %dma_start3A_136 = tpu.memref_slice %arg11[%dma_start3A_132, %dma_start3A_135] : memref<8x128xi32, #tpu.memory_space<vmem>> -> memref<1x128xi32, #tpu.memory_space<vmem>>
      %dma_start3A_137 = tpu.memref_squeeze %dma_start3A_136 : memref<1x128xi32, #tpu.memory_space<vmem>> -> memref<128xi32, #tpu.memory_space<vmem>>
      %dma_start3A_138 = arith.constant 0 : i32
      %dma_start3A_139 = tpu.memref_slice %arg10[%dma_start3A_138] : memref<100001xf32, #tpu.memory_space<vmem_shared>> -> memref<100001xf32, #tpu.memory_space<vmem_shared>>
      tpu.enqueue_indirect_dma source(%dma_start3A_139 : memref<100001xf32, #tpu.memory_space<vmem_shared>>) target(%dma_start3A_134 : memref<128xf32, #tpu.memory_space<vmem>>) offsets(%dma_start3A_137 : memref<128xi32, #tpu.memory_space<vmem>>) semaphore(%arg18 : memref<!tpu.dma_semaphore, #tpu.memory_space<semaphore_mem>>)
      %dma_start3A_140 = arith.constant 5 : i32
      %dma_start3A_141 = arith.constant 640 : i32
      %dma_start3A_142 = tpu.memref_slice %arg14[%dma_start3A_141] : memref<1024xf32, #tpu.memory_space<vmem>> -> memref<128xf32, #tpu.memory_space<vmem>>
      %dma_start3A_143 = arith.constant 0 : i32
      %dma_start3A_144 = tpu.memref_slice %arg12[%dma_start3A_140, %dma_start3A_143] : memref<8x128xi32, #tpu.memory_space<vmem>> -> memref<1x128xi32, #tpu.memory_space<vmem>>
      %dma_start3A_145 = tpu.memref_squeeze %dma_start3A_144 : memref<1x128xi32, #tpu.memory_space<vmem>> -> memref<128xi32, #tpu.memory_space<vmem>>
      %dma_start3A_146 = arith.constant 0 : i32
      %dma_start3A_147 = tpu.memref_slice %arg9[%dma_start3A_146] : memref<1000001xf32, #tpu.memory_space<vmem_shared>> -> memref<1000001xf32, #tpu.memory_space<vmem_shared>>
      tpu.enqueue_indirect_dma source(%dma_start3A_147 : memref<1000001xf32, #tpu.memory_space<vmem_shared>>) target(%dma_start3A_142 : memref<128xf32, #tpu.memory_space<vmem>>) offsets(%dma_start3A_145 : memref<128xi32, #tpu.memory_space<vmem>>) semaphore(%arg18 : memref<!tpu.dma_semaphore, #tpu.memory_space<semaphore_mem>>)
      %dma_start3A_148 = arith.constant 5 : i32
      %dma_start3A_149 = arith.constant 640 : i32
      %dma_start3A_150 = tpu.memref_slice %arg13[%dma_start3A_149] : memref<1024xf32, #tpu.memory_space<vmem>> -> memref<128xf32, #tpu.memory_space<vmem>>
      %dma_start3A_151 = arith.constant 0 : i32
      %dma_start3A_152 = tpu.memref_slice %arg11[%dma_start3A_148, %dma_start3A_151] : memref<8x128xi32, #tpu.memory_space<vmem>> -> memref<1x128xi32, #tpu.memory_space<vmem>>
      %dma_start3A_153 = tpu.memref_squeeze %dma_start3A_152 : memref<1x128xi32, #tpu.memory_space<vmem>> -> memref<128xi32, #tpu.memory_space<vmem>>
      %dma_start3A_154 = arith.constant 0 : i32
      %dma_start3A_155 = tpu.memref_slice %arg10[%dma_start3A_154] : memref<100001xf32, #tpu.memory_space<vmem_shared>> -> memref<100001xf32, #tpu.memory_space<vmem_shared>>
      tpu.enqueue_indirect_dma source(%dma_start3A_155 : memref<100001xf32, #tpu.memory_space<vmem_shared>>) target(%dma_start3A_150 : memref<128xf32, #tpu.memory_space<vmem>>) offsets(%dma_start3A_153 : memref<128xi32, #tpu.memory_space<vmem>>) semaphore(%arg18 : memref<!tpu.dma_semaphore, #tpu.memory_space<semaphore_mem>>)
      %dma_start3A_156 = arith.constant 6 : i32
      %dma_start3A_157 = arith.constant 768 : i32
      %dma_start3A_158 = tpu.memref_slice %arg14[%dma_start3A_157] : memref<1024xf32, #tpu.memory_space<vmem>> -> memref<128xf32, #tpu.memory_space<vmem>>
      %dma_start3A_159 = arith.constant 0 : i32
      %dma_start3A_160 = tpu.memref_slice %arg12[%dma_start3A_156, %dma_start3A_159] : memref<8x128xi32, #tpu.memory_space<vmem>> -> memref<1x128xi32, #tpu.memory_space<vmem>>
      %dma_start3A_161 = tpu.memref_squeeze %dma_start3A_160 : memref<1x128xi32, #tpu.memory_space<vmem>> -> memref<128xi32, #tpu.memory_space<vmem>>
      %dma_start3A_162 = arith.constant 0 : i32
      %dma_start3A_163 = tpu.memref_slice %arg9[%dma_start3A_162] : memref<1000001xf32, #tpu.memory_space<vmem_shared>> -> memref<1000001xf32, #tpu.memory_space<vmem_shared>>
      tpu.enqueue_indirect_dma source(%dma_start3A_163 : memref<1000001xf32, #tpu.memory_space<vmem_shared>>) target(%dma_start3A_158 : memref<128xf32, #tpu.memory_space<vmem>>) offsets(%dma_start3A_161 : memref<128xi32, #tpu.memory_space<vmem>>) semaphore(%arg18 : memref<!tpu.dma_semaphore, #tpu.memory_space<semaphore_mem>>)
      %dma_start3A_164 = arith.constant 6 : i32
      %dma_start3A_165 = arith.constant 768 : i32
      %dma_start3A_166 = tpu.memref_slice %arg13[%dma_start3A_165] : memref<1024xf32, #tpu.memory_space<vmem>> -> memref<128xf32, #tpu.memory_space<vmem>>
      %dma_start3A_167 = arith.constant 0 : i32
      %dma_start3A_168 = tpu.memref_slice %arg11[%dma_start3A_164, %dma_start3A_167] : memref<8x128xi32, #tpu.memory_space<vmem>> -> memref<1x128xi32, #tpu.memory_space<vmem>>
      %dma_start3A_169 = tpu.memref_squeeze %dma_start3A_168 : memref<1x128xi32, #tpu.memory_space<vmem>> -> memref<128xi32, #tpu.memory_space<vmem>>
      %dma_start3A_170 = arith.constant 0 : i32
      %dma_start3A_171 = tpu.memref_slice %arg10[%dma_start3A_170] : memref<100001xf32, #tpu.memory_space<vmem_shared>> -> memref<100001xf32, #tpu.memory_space<vmem_shared>>
      tpu.enqueue_indirect_dma source(%dma_start3A_171 : memref<100001xf32, #tpu.memory_space<vmem_shared>>) target(%dma_start3A_166 : memref<128xf32, #tpu.memory_space<vmem>>) offsets(%dma_start3A_169 : memref<128xi32, #tpu.memory_space<vmem>>) semaphore(%arg18 : memref<!tpu.dma_semaphore, #tpu.memory_space<semaphore_mem>>)
      %dma_start3A_172 = arith.constant 7 : i32
      %dma_start3A_173 = arith.constant 896 : i32
      %dma_start3A_174 = tpu.memref_slice %arg14[%dma_start3A_173] : memref<1024xf32, #tpu.memory_space<vmem>> -> memref<128xf32, #tpu.memory_space<vmem>>
      %dma_start3A_175 = arith.constant 0 : i32
      %dma_start3A_176 = tpu.memref_slice %arg12[%dma_start3A_172, %dma_start3A_175] : memref<8x128xi32, #tpu.memory_space<vmem>> -> memref<1x128xi32, #tpu.memory_space<vmem>>
      %dma_start3A_177 = tpu.memref_squeeze %dma_start3A_176 : memref<1x128xi32, #tpu.memory_space<vmem>> -> memref<128xi32, #tpu.memory_space<vmem>>
      %dma_start3A_178 = arith.constant 0 : i32
      %dma_start3A_179 = tpu.memref_slice %arg9[%dma_start3A_178] : memref<1000001xf32, #tpu.memory_space<vmem_shared>> -> memref<1000001xf32, #tpu.memory_space<vmem_shared>>
      tpu.enqueue_indirect_dma source(%dma_start3A_179 : memref<1000001xf32, #tpu.memory_space<vmem_shared>>) target(%dma_start3A_174 : memref<128xf32, #tpu.memory_space<vmem>>) offsets(%dma_start3A_177 : memref<128xi32, #tpu.memory_space<vmem>>) semaphore(%arg18 : memref<!tpu.dma_semaphore, #tpu.memory_space<semaphore_mem>>)
      %dma_start3A_180 = arith.constant 7 : i32
      %dma_start3A_181 = arith.constant 896 : i32
      %dma_start3A_182 = tpu.memref_slice %arg13[%dma_start3A_181] : memref<1024xf32, #tpu.memory_space<vmem>> -> memref<128xf32, #tpu.memory_space<vmem>>
      %dma_start3A_183 = arith.constant 0 : i32
      %dma_start3A_184 = tpu.memref_slice %arg11[%dma_start3A_180, %dma_start3A_183] : memref<8x128xi32, #tpu.memory_space<vmem>> -> memref<1x128xi32, #tpu.memory_space<vmem>>
      %dma_start3A_185 = tpu.memref_squeeze %dma_start3A_184 : memref<1x128xi32, #tpu.memory_space<vmem>> -> memref<128xi32, #tpu.memory_space<vmem>>
      %dma_start3A_186 = arith.constant 0 : i32
      %dma_start3A_187 = tpu.memref_slice %arg10[%dma_start3A_186] : memref<100001xf32, #tpu.memory_space<vmem_shared>> -> memref<100001xf32, #tpu.memory_space<vmem_shared>>
      tpu.enqueue_indirect_dma source(%dma_start3A_187 : memref<100001xf32, #tpu.memory_space<vmem_shared>>) target(%dma_start3A_182 : memref<128xf32, #tpu.memory_space<vmem>>) offsets(%dma_start3A_185 : memref<128xi32, #tpu.memory_space<vmem>>) semaphore(%arg18 : memref<!tpu.dma_semaphore, #tpu.memory_space<semaphore_mem>>)
      %dma_wait3A = arith.constant 0 : i32
      %dma_wait3A_188 = arith.constant 0 : i32
      %dma_wait3A_189 = tpu.memref_slice %arg14[%dma_wait3A_188] : memref<1024xf32, #tpu.memory_space<vmem>> -> memref<128xf32, #tpu.memory_space<vmem>>
      %dma_wait3A_190 = arith.constant 0 : i32
      %dma_wait3A_191 = tpu.memref_slice %arg12[%dma_wait3A, %dma_wait3A_190] : memref<8x128xi32, #tpu.memory_space<vmem>> -> memref<1x128xi32, #tpu.memory_space<vmem>>
      %dma_wait3A_192 = tpu.memref_squeeze %dma_wait3A_191 : memref<1x128xi32, #tpu.memory_space<vmem>> -> memref<128xi32, #tpu.memory_space<vmem>>
      %dma_wait3A_193 = arith.constant 0 : i32
      %dma_wait3A_194 = tpu.memref_slice %arg9[%dma_wait3A_193] : memref<1000001xf32, #tpu.memory_space<vmem_shared>> -> memref<1000001xf32, #tpu.memory_space<vmem_shared>>
      tpu.wait_indirect_dma semaphore(%arg18 : memref<!tpu.dma_semaphore, #tpu.memory_space<semaphore_mem>>) src(%dma_wait3A_194 : memref<1000001xf32, #tpu.memory_space<vmem_shared>>) dst(%dma_wait3A_189 : memref<128xf32, #tpu.memory_space<vmem>>)
      %dma_wait3A_195 = arith.constant 0 : i32
      %dma_wait3A_196 = arith.constant 0 : i32
      %dma_wait3A_197 = tpu.memref_slice %arg13[%dma_wait3A_196] : memref<1024xf32, #tpu.memory_space<vmem>> -> memref<128xf32, #tpu.memory_space<vmem>>
      %dma_wait3A_198 = arith.constant 0 : i32
      %dma_wait3A_199 = tpu.memref_slice %arg11[%dma_wait3A_195, %dma_wait3A_198] : memref<8x128xi32, #tpu.memory_space<vmem>> -> memref<1x128xi32, #tpu.memory_space<vmem>>
      %dma_wait3A_200 = tpu.memref_squeeze %dma_wait3A_199 : memref<1x128xi32, #tpu.memory_space<vmem>> -> memref<128xi32, #tpu.memory_space<vmem>>
      %dma_wait3A_201 = arith.constant 0 : i32
      %dma_wait3A_202 = tpu.memref_slice %arg10[%dma_wait3A_201] : memref<100001xf32, #tpu.memory_space<vmem_shared>> -> memref<100001xf32, #tpu.memory_space<vmem_shared>>
      tpu.wait_indirect_dma semaphore(%arg18 : memref<!tpu.dma_semaphore, #tpu.memory_space<semaphore_mem>>) src(%dma_wait3A_202 : memref<100001xf32, #tpu.memory_space<vmem_shared>>) dst(%dma_wait3A_197 : memref<128xf32, #tpu.memory_space<vmem>>)
      %dma_wait3A_203 = arith.constant 1 : i32
      %dma_wait3A_204 = arith.constant 128 : i32
      %dma_wait3A_205 = tpu.memref_slice %arg14[%dma_wait3A_204] : memref<1024xf32, #tpu.memory_space<vmem>> -> memref<128xf32, #tpu.memory_space<vmem>>
      %dma_wait3A_206 = arith.constant 0 : i32
      %dma_wait3A_207 = tpu.memref_slice %arg12[%dma_wait3A_203, %dma_wait3A_206] : memref<8x128xi32, #tpu.memory_space<vmem>> -> memref<1x128xi32, #tpu.memory_space<vmem>>
      %dma_wait3A_208 = tpu.memref_squeeze %dma_wait3A_207 : memref<1x128xi32, #tpu.memory_space<vmem>> -> memref<128xi32, #tpu.memory_space<vmem>>
      %dma_wait3A_209 = arith.constant 0 : i32
      %dma_wait3A_210 = tpu.memref_slice %arg9[%dma_wait3A_209] : memref<1000001xf32, #tpu.memory_space<vmem_shared>> -> memref<1000001xf32, #tpu.memory_space<vmem_shared>>
      tpu.wait_indirect_dma semaphore(%arg18 : memref<!tpu.dma_semaphore, #tpu.memory_space<semaphore_mem>>) src(%dma_wait3A_210 : memref<1000001xf32, #tpu.memory_space<vmem_shared>>) dst(%dma_wait3A_205 : memref<128xf32, #tpu.memory_space<vmem>>)
      %dma_wait3A_211 = arith.constant 1 : i32
      %dma_wait3A_212 = arith.constant 128 : i32
      %dma_wait3A_213 = tpu.memref_slice %arg13[%dma_wait3A_212] : memref<1024xf32, #tpu.memory_space<vmem>> -> memref<128xf32, #tpu.memory_space<vmem>>
      %dma_wait3A_214 = arith.constant 0 : i32
      %dma_wait3A_215 = tpu.memref_slice %arg11[%dma_wait3A_211, %dma_wait3A_214] : memref<8x128xi32, #tpu.memory_space<vmem>> -> memref<1x128xi32, #tpu.memory_space<vmem>>
      %dma_wait3A_216 = tpu.memref_squeeze %dma_wait3A_215 : memref<1x128xi32, #tpu.memory_space<vmem>> -> memref<128xi32, #tpu.memory_space<vmem>>
      %dma_wait3A_217 = arith.constant 0 : i32
      %dma_wait3A_218 = tpu.memref_slice %arg10[%dma_wait3A_217] : memref<100001xf32, #tpu.memory_space<vmem_shared>> -> memref<100001xf32, #tpu.memory_space<vmem_shared>>
      tpu.wait_indirect_dma semaphore(%arg18 : memref<!tpu.dma_semaphore, #tpu.memory_space<semaphore_mem>>) src(%dma_wait3A_218 : memref<100001xf32, #tpu.memory_space<vmem_shared>>) dst(%dma_wait3A_213 : memref<128xf32, #tpu.memory_space<vmem>>)
      %dma_wait3A_219 = arith.constant 2 : i32
      %dma_wait3A_220 = arith.constant 256 : i32
      %dma_wait3A_221 = tpu.memref_slice %arg14[%dma_wait3A_220] : memref<1024xf32, #tpu.memory_space<vmem>> -> memref<128xf32, #tpu.memory_space<vmem>>
      %dma_wait3A_222 = arith.constant 0 : i32
      %dma_wait3A_223 = tpu.memref_slice %arg12[%dma_wait3A_219, %dma_wait3A_222] : memref<8x128xi32, #tpu.memory_space<vmem>> -> memref<1x128xi32, #tpu.memory_space<vmem>>
      %dma_wait3A_224 = tpu.memref_squeeze %dma_wait3A_223 : memref<1x128xi32, #tpu.memory_space<vmem>> -> memref<128xi32, #tpu.memory_space<vmem>>
      %dma_wait3A_225 = arith.constant 0 : i32
      %dma_wait3A_226 = tpu.memref_slice %arg9[%dma_wait3A_225] : memref<1000001xf32, #tpu.memory_space<vmem_shared>> -> memref<1000001xf32, #tpu.memory_space<vmem_shared>>
      tpu.wait_indirect_dma semaphore(%arg18 : memref<!tpu.dma_semaphore, #tpu.memory_space<semaphore_mem>>) src(%dma_wait3A_226 : memref<1000001xf32, #tpu.memory_space<vmem_shared>>) dst(%dma_wait3A_221 : memref<128xf32, #tpu.memory_space<vmem>>)
      %dma_wait3A_227 = arith.constant 2 : i32
      %dma_wait3A_228 = arith.constant 256 : i32
      %dma_wait3A_229 = tpu.memref_slice %arg13[%dma_wait3A_228] : memref<1024xf32, #tpu.memory_space<vmem>> -> memref<128xf32, #tpu.memory_space<vmem>>
      %dma_wait3A_230 = arith.constant 0 : i32
      %dma_wait3A_231 = tpu.memref_slice %arg11[%dma_wait3A_227, %dma_wait3A_230] : memref<8x128xi32, #tpu.memory_space<vmem>> -> memref<1x128xi32, #tpu.memory_space<vmem>>
      %dma_wait3A_232 = tpu.memref_squeeze %dma_wait3A_231 : memref<1x128xi32, #tpu.memory_space<vmem>> -> memref<128xi32, #tpu.memory_space<vmem>>
      %dma_wait3A_233 = arith.constant 0 : i32
      %dma_wait3A_234 = tpu.memref_slice %arg10[%dma_wait3A_233] : memref<100001xf32, #tpu.memory_space<vmem_shared>> -> memref<100001xf32, #tpu.memory_space<vmem_shared>>
      tpu.wait_indirect_dma semaphore(%arg18 : memref<!tpu.dma_semaphore, #tpu.memory_space<semaphore_mem>>) src(%dma_wait3A_234 : memref<100001xf32, #tpu.memory_space<vmem_shared>>) dst(%dma_wait3A_229 : memref<128xf32, #tpu.memory_space<vmem>>)
      %dma_wait3A_235 = arith.constant 3 : i32
      %dma_wait3A_236 = arith.constant 384 : i32
      %dma_wait3A_237 = tpu.memref_slice %arg14[%dma_wait3A_236] : memref<1024xf32, #tpu.memory_space<vmem>> -> memref<128xf32, #tpu.memory_space<vmem>>
      %dma_wait3A_238 = arith.constant 0 : i32
      %dma_wait3A_239 = tpu.memref_slice %arg12[%dma_wait3A_235, %dma_wait3A_238] : memref<8x128xi32, #tpu.memory_space<vmem>> -> memref<1x128xi32, #tpu.memory_space<vmem>>
      %dma_wait3A_240 = tpu.memref_squeeze %dma_wait3A_239 : memref<1x128xi32, #tpu.memory_space<vmem>> -> memref<128xi32, #tpu.memory_space<vmem>>
      %dma_wait3A_241 = arith.constant 0 : i32
      %dma_wait3A_242 = tpu.memref_slice %arg9[%dma_wait3A_241] : memref<1000001xf32, #tpu.memory_space<vmem_shared>> -> memref<1000001xf32, #tpu.memory_space<vmem_shared>>
      tpu.wait_indirect_dma semaphore(%arg18 : memref<!tpu.dma_semaphore, #tpu.memory_space<semaphore_mem>>) src(%dma_wait3A_242 : memref<1000001xf32, #tpu.memory_space<vmem_shared>>) dst(%dma_wait3A_237 : memref<128xf32, #tpu.memory_space<vmem>>)
      %dma_wait3A_243 = arith.constant 3 : i32
      %dma_wait3A_244 = arith.constant 384 : i32
      %dma_wait3A_245 = tpu.memref_slice %arg13[%dma_wait3A_244] : memref<1024xf32, #tpu.memory_space<vmem>> -> memref<128xf32, #tpu.memory_space<vmem>>
      %dma_wait3A_246 = arith.constant 0 : i32
      %dma_wait3A_247 = tpu.memref_slice %arg11[%dma_wait3A_243, %dma_wait3A_246] : memref<8x128xi32, #tpu.memory_space<vmem>> -> memref<1x128xi32, #tpu.memory_space<vmem>>
      %dma_wait3A_248 = tpu.memref_squeeze %dma_wait3A_247 : memref<1x128xi32, #tpu.memory_space<vmem>> -> memref<128xi32, #tpu.memory_space<vmem>>
      %dma_wait3A_249 = arith.constant 0 : i32
      %dma_wait3A_250 = tpu.memref_slice %arg10[%dma_wait3A_249] : memref<100001xf32, #tpu.memory_space<vmem_shared>> -> memref<100001xf32, #tpu.memory_space<vmem_shared>>
      tpu.wait_indirect_dma semaphore(%arg18 : memref<!tpu.dma_semaphore, #tpu.memory_space<semaphore_mem>>) src(%dma_wait3A_250 : memref<100001xf32, #tpu.memory_space<vmem_shared>>) dst(%dma_wait3A_245 : memref<128xf32, #tpu.memory_space<vmem>>)
      %dma_wait3A_251 = arith.constant 4 : i32
      %dma_wait3A_252 = arith.constant 512 : i32
      %dma_wait3A_253 = tpu.memref_slice %arg14[%dma_wait3A_252] : memref<1024xf32, #tpu.memory_space<vmem>> -> memref<128xf32, #tpu.memory_space<vmem>>
      %dma_wait3A_254 = arith.constant 0 : i32
      %dma_wait3A_255 = tpu.memref_slice %arg12[%dma_wait3A_251, %dma_wait3A_254] : memref<8x128xi32, #tpu.memory_space<vmem>> -> memref<1x128xi32, #tpu.memory_space<vmem>>
      %dma_wait3A_256 = tpu.memref_squeeze %dma_wait3A_255 : memref<1x128xi32, #tpu.memory_space<vmem>> -> memref<128xi32, #tpu.memory_space<vmem>>
      %dma_wait3A_257 = arith.constant 0 : i32
      %dma_wait3A_258 = tpu.memref_slice %arg9[%dma_wait3A_257] : memref<1000001xf32, #tpu.memory_space<vmem_shared>> -> memref<1000001xf32, #tpu.memory_space<vmem_shared>>
      tpu.wait_indirect_dma semaphore(%arg18 : memref<!tpu.dma_semaphore, #tpu.memory_space<semaphore_mem>>) src(%dma_wait3A_258 : memref<1000001xf32, #tpu.memory_space<vmem_shared>>) dst(%dma_wait3A_253 : memref<128xf32, #tpu.memory_space<vmem>>)
      %dma_wait3A_259 = arith.constant 4 : i32
      %dma_wait3A_260 = arith.constant 512 : i32
      %dma_wait3A_261 = tpu.memref_slice %arg13[%dma_wait3A_260] : memref<1024xf32, #tpu.memory_space<vmem>> -> memref<128xf32, #tpu.memory_space<vmem>>
      %dma_wait3A_262 = arith.constant 0 : i32
      %dma_wait3A_263 = tpu.memref_slice %arg11[%dma_wait3A_259, %dma_wait3A_262] : memref<8x128xi32, #tpu.memory_space<vmem>> -> memref<1x128xi32, #tpu.memory_space<vmem>>
      %dma_wait3A_264 = tpu.memref_squeeze %dma_wait3A_263 : memref<1x128xi32, #tpu.memory_space<vmem>> -> memref<128xi32, #tpu.memory_space<vmem>>
      %dma_wait3A_265 = arith.constant 0 : i32
      %dma_wait3A_266 = tpu.memref_slice %arg10[%dma_wait3A_265] : memref<100001xf32, #tpu.memory_space<vmem_shared>> -> memref<100001xf32, #tpu.memory_space<vmem_shared>>
      tpu.wait_indirect_dma semaphore(%arg18 : memref<!tpu.dma_semaphore, #tpu.memory_space<semaphore_mem>>) src(%dma_wait3A_266 : memref<100001xf32, #tpu.memory_space<vmem_shared>>) dst(%dma_wait3A_261 : memref<128xf32, #tpu.memory_space<vmem>>)
      %dma_wait3A_267 = arith.constant 5 : i32
      %dma_wait3A_268 = arith.constant 640 : i32
      %dma_wait3A_269 = tpu.memref_slice %arg14[%dma_wait3A_268] : memref<1024xf32, #tpu.memory_space<vmem>> -> memref<128xf32, #tpu.memory_space<vmem>>
      %dma_wait3A_270 = arith.constant 0 : i32
      %dma_wait3A_271 = tpu.memref_slice %arg12[%dma_wait3A_267, %dma_wait3A_270] : memref<8x128xi32, #tpu.memory_space<vmem>> -> memref<1x128xi32, #tpu.memory_space<vmem>>
      %dma_wait3A_272 = tpu.memref_squeeze %dma_wait3A_271 : memref<1x128xi32, #tpu.memory_space<vmem>> -> memref<128xi32, #tpu.memory_space<vmem>>
      %dma_wait3A_273 = arith.constant 0 : i32
      %dma_wait3A_274 = tpu.memref_slice %arg9[%dma_wait3A_273] : memref<1000001xf32, #tpu.memory_space<vmem_shared>> -> memref<1000001xf32, #tpu.memory_space<vmem_shared>>
      tpu.wait_indirect_dma semaphore(%arg18 : memref<!tpu.dma_semaphore, #tpu.memory_space<semaphore_mem>>) src(%dma_wait3A_274 : memref<1000001xf32, #tpu.memory_space<vmem_shared>>) dst(%dma_wait3A_269 : memref<128xf32, #tpu.memory_space<vmem>>)
      %dma_wait3A_275 = arith.constant 5 : i32
      %dma_wait3A_276 = arith.constant 640 : i32
      %dma_wait3A_277 = tpu.memref_slice %arg13[%dma_wait3A_276] : memref<1024xf32, #tpu.memory_space<vmem>> -> memref<128xf32, #tpu.memory_space<vmem>>
      %dma_wait3A_278 = arith.constant 0 : i32
      %dma_wait3A_279 = tpu.memref_slice %arg11[%dma_wait3A_275, %dma_wait3A_278] : memref<8x128xi32, #tpu.memory_space<vmem>> -> memref<1x128xi32, #tpu.memory_space<vmem>>
      %dma_wait3A_280 = tpu.memref_squeeze %dma_wait3A_279 : memref<1x128xi32, #tpu.memory_space<vmem>> -> memref<128xi32, #tpu.memory_space<vmem>>
      %dma_wait3A_281 = arith.constant 0 : i32
      %dma_wait3A_282 = tpu.memref_slice %arg10[%dma_wait3A_281] : memref<100001xf32, #tpu.memory_space<vmem_shared>> -> memref<100001xf32, #tpu.memory_space<vmem_shared>>
      tpu.wait_indirect_dma semaphore(%arg18 : memref<!tpu.dma_semaphore, #tpu.memory_space<semaphore_mem>>) src(%dma_wait3A_282 : memref<100001xf32, #tpu.memory_space<vmem_shared>>) dst(%dma_wait3A_277 : memref<128xf32, #tpu.memory_space<vmem>>)
      %dma_wait3A_283 = arith.constant 6 : i32
      %dma_wait3A_284 = arith.constant 768 : i32
      %dma_wait3A_285 = tpu.memref_slice %arg14[%dma_wait3A_284] : memref<1024xf32, #tpu.memory_space<vmem>> -> memref<128xf32, #tpu.memory_space<vmem>>
      %dma_wait3A_286 = arith.constant 0 : i32
      %dma_wait3A_287 = tpu.memref_slice %arg12[%dma_wait3A_283, %dma_wait3A_286] : memref<8x128xi32, #tpu.memory_space<vmem>> -> memref<1x128xi32, #tpu.memory_space<vmem>>
      %dma_wait3A_288 = tpu.memref_squeeze %dma_wait3A_287 : memref<1x128xi32, #tpu.memory_space<vmem>> -> memref<128xi32, #tpu.memory_space<vmem>>
      %dma_wait3A_289 = arith.constant 0 : i32
      %dma_wait3A_290 = tpu.memref_slice %arg9[%dma_wait3A_289] : memref<1000001xf32, #tpu.memory_space<vmem_shared>> -> memref<1000001xf32, #tpu.memory_space<vmem_shared>>
      tpu.wait_indirect_dma semaphore(%arg18 : memref<!tpu.dma_semaphore, #tpu.memory_space<semaphore_mem>>) src(%dma_wait3A_290 : memref<1000001xf32, #tpu.memory_space<vmem_shared>>) dst(%dma_wait3A_285 : memref<128xf32, #tpu.memory_space<vmem>>)
      %dma_wait3A_291 = arith.constant 6 : i32
      %dma_wait3A_292 = arith.constant 768 : i32
      %dma_wait3A_293 = tpu.memref_slice %arg13[%dma_wait3A_292] : memref<1024xf32, #tpu.memory_space<vmem>> -> memref<128xf32, #tpu.memory_space<vmem>>
      %dma_wait3A_294 = arith.constant 0 : i32
      %dma_wait3A_295 = tpu.memref_slice %arg11[%dma_wait3A_291, %dma_wait3A_294] : memref<8x128xi32, #tpu.memory_space<vmem>> -> memref<1x128xi32, #tpu.memory_space<vmem>>
      %dma_wait3A_296 = tpu.memref_squeeze %dma_wait3A_295 : memref<1x128xi32, #tpu.memory_space<vmem>> -> memref<128xi32, #tpu.memory_space<vmem>>
      %dma_wait3A_297 = arith.constant 0 : i32
      %dma_wait3A_298 = tpu.memref_slice %arg10[%dma_wait3A_297] : memref<100001xf32, #tpu.memory_space<vmem_shared>> -> memref<100001xf32, #tpu.memory_space<vmem_shared>>
      tpu.wait_indirect_dma semaphore(%arg18 : memref<!tpu.dma_semaphore, #tpu.memory_space<semaphore_mem>>) src(%dma_wait3A_298 : memref<100001xf32, #tpu.memory_space<vmem_shared>>) dst(%dma_wait3A_293 : memref<128xf32, #tpu.memory_space<vmem>>)
      %dma_wait3A_299 = arith.constant 7 : i32
      %dma_wait3A_300 = arith.constant 896 : i32
      %dma_wait3A_301 = tpu.memref_slice %arg14[%dma_wait3A_300] : memref<1024xf32, #tpu.memory_space<vmem>> -> memref<128xf32, #tpu.memory_space<vmem>>
      %dma_wait3A_302 = arith.constant 0 : i32
      %dma_wait3A_303 = tpu.memref_slice %arg12[%dma_wait3A_299, %dma_wait3A_302] : memref<8x128xi32, #tpu.memory_space<vmem>> -> memref<1x128xi32, #tpu.memory_space<vmem>>
      %dma_wait3A_304 = tpu.memref_squeeze %dma_wait3A_303 : memref<1x128xi32, #tpu.memory_space<vmem>> -> memref<128xi32, #tpu.memory_space<vmem>>
      %dma_wait3A_305 = arith.constant 0 : i32
      %dma_wait3A_306 = tpu.memref_slice %arg9[%dma_wait3A_305] : memref<1000001xf32, #tpu.memory_space<vmem_shared>> -> memref<1000001xf32, #tpu.memory_space<vmem_shared>>
      tpu.wait_indirect_dma semaphore(%arg18 : memref<!tpu.dma_semaphore, #tpu.memory_space<semaphore_mem>>) src(%dma_wait3A_306 : memref<1000001xf32, #tpu.memory_space<vmem_shared>>) dst(%dma_wait3A_301 : memref<128xf32, #tpu.memory_space<vmem>>)
      %dma_wait3A_307 = arith.constant 7 : i32
      %dma_wait3A_308 = arith.constant 896 : i32
      %dma_wait3A_309 = tpu.memref_slice %arg13[%dma_wait3A_308] : memref<1024xf32, #tpu.memory_space<vmem>> -> memref<128xf32, #tpu.memory_space<vmem>>
      %dma_wait3A_310 = arith.constant 0 : i32
      %dma_wait3A_311 = tpu.memref_slice %arg11[%dma_wait3A_307, %dma_wait3A_310] : memref<8x128xi32, #tpu.memory_space<vmem>> -> memref<1x128xi32, #tpu.memory_space<vmem>>
      %dma_wait3A_312 = tpu.memref_squeeze %dma_wait3A_311 : memref<1x128xi32, #tpu.memory_space<vmem>> -> memref<128xi32, #tpu.memory_space<vmem>>
      %dma_wait3A_313 = arith.constant 0 : i32
      %dma_wait3A_314 = tpu.memref_slice %arg10[%dma_wait3A_313] : memref<100001xf32, #tpu.memory_space<vmem_shared>> -> memref<100001xf32, #tpu.memory_space<vmem_shared>>
      tpu.wait_indirect_dma semaphore(%arg18 : memref<!tpu.dma_semaphore, #tpu.memory_space<semaphore_mem>>) src(%dma_wait3A_314 : memref<100001xf32, #tpu.memory_space<vmem_shared>>) dst(%dma_wait3A_309 : memref<128xf32, #tpu.memory_space<vmem>>)
      %barrier3A_315 = arith.constant 0 : index
      tpu.barrier barrier_id(%barrier3A_315)
      %get3A_316 = arith.index_cast %add3A : i32 to index
      %get3A_317 = arith.constant 0 : index
      %get3A_318 = tpu.vector_load %arg15[%get3A_316, %get3A_317] {strides = array<i32>} : memref<32x16xf32, #tpu.memory_space<vmem>>, vector<16xf32>,
      %scan3A_319 = arith.constant 0 : i32
      %scan3A_320 = arith.constant 0 : i32
      %scan3A_321 = arith.constant 8 : i32
      %scan3A_322 = arith.addi %scan3A_320, %scan3A_321 : i32
      %scan3A_323 = arith.constant 1 : i32
      scf.for %scan3A_325 = %scan3A_320 to %scan3A_322 step %scan3A_323  : i32 {
        %mul3A_326 = arith.constant 128 : i32
        %mul3A_327 = arith.muli %scan3A_325, %mul3A_326 : i32
        %add3A_328 = arith.constant 0 : i32
        %add3A_329 = arith.addi %mul3A_327, %add3A_328 : i32
        %get3A_330 = arith.index_cast %add3A_329 : i32 to index
        %get3A_331 = tpu.vector_load %arg17[%get3A_330] {strides = array<i32>} : memref<1024xf32, #tpu.memory_space<vmem>>, vector<16xf32>,
        %get3A_332 = arith.index_cast %add3A_329 : i32 to index
        %get3A_333 = tpu.vector_load %arg13[%get3A_332] {strides = array<i32>} : memref<1024xf32, #tpu.memory_space<vmem>>, vector<16xf32>,
        %get3A_334 = arith.index_cast %add3A_329 : i32 to index
        %get3A_335 = tpu.vector_load %arg14[%get3A_334] {strides = array<i32>} : memref<1024xf32, #tpu.memory_space<vmem>>, vector<16xf32>,
        %mul3A_336 = arith.mulf %get3A_333, %get3A_335 : vector<16xf32>
        %mul3A_337 = arith.mulf %mul3A_336, %get3A_318 : vector<16xf32>
        %add3A_338 = arith.addf %get3A_331, %mul3A_337 : vector<16xf32>
        %swap3A = arith.index_cast %add3A_329 : i32 to index
        %swap3A_339 = tpu.vector_load %arg17[%swap3A] {strides = array<i32>} : memref<1024xf32, #tpu.memory_space<vmem>>, vector<16xf32>,
        tpu.vector_store %arg17[%swap3A], %add3A_338 {strides = array<i32>} : memref<1024xf32, #tpu.memory_space<vmem>>, vector<16xf32>,
        %mul3A_340 = arith.constant 128 : i32
        %mul3A_341 = arith.muli %scan3A_325, %mul3A_340 : i32
        %add3A_342 = arith.constant 16 : i32
        %add3A_343 = arith.addi %mul3A_341, %add3A_342 : i32
        %get3A_344 = arith.index_cast %add3A_343 : i32 to index
        %get3A_345 = tpu.vector_load %arg17[%get3A_344] {strides = array<i32>} : memref<1024xf32, #tpu.memory_space<vmem>>, vector<16xf32>,
        %get3A_346 = arith.index_cast %add3A_343 : i32 to index
        %get3A_347 = tpu.vector_load %arg13[%get3A_346] {strides = array<i32>} : memref<1024xf32, #tpu.memory_space<vmem>>, vector<16xf32>,
        %get3A_348 = arith.index_cast %add3A_343 : i32 to index
        %get3A_349 = tpu.vector_load %arg14[%get3A_348] {strides = array<i32>} : memref<1024xf32, #tpu.memory_space<vmem>>, vector<16xf32>,
        %mul3A_350 = arith.mulf %get3A_347, %get3A_349 : vector<16xf32>
        %mul3A_351 = arith.mulf %mul3A_350, %get3A_318 : vector<16xf32>
        %add3A_352 = arith.addf %get3A_345, %mul3A_351 : vector<16xf32>
        %swap3A_353 = arith.index_cast %add3A_343 : i32 to index
        %swap3A_354 = tpu.vector_load %arg17[%swap3A_353] {strides = array<i32>} : memref<1024xf32, #tpu.memory_space<vmem>>, vector<16xf32>,
        tpu.vector_store %arg17[%swap3A_353], %add3A_352 {strides = array<i32>} : memref<1024xf32, #tpu.memory_space<vmem>>, vector<16xf32>,
        %mul3A_355 = arith.constant 128 : i32
        %mul3A_356 = arith.muli %scan3A_325, %mul3A_355 : i32
        %add3A_357 = arith.constant 32 : i32
        %add3A_358 = arith.addi %mul3A_356, %add3A_357 : i32
        %get3A_359 = arith.index_cast %add3A_358 : i32 to index
        %get3A_360 = tpu.vector_load %arg17[%get3A_359] {strides = array<i32>} : memref<1024xf32, #tpu.memory_space<vmem>>, vector<16xf32>,
        %get3A_361 = arith.index_cast %add3A_358 : i32 to index
        %get3A_362 = tpu.vector_load %arg13[%get3A_361] {strides = array<i32>} : memref<1024xf32, #tpu.memory_space<vmem>>, vector<16xf32>,
        %get3A_363 = arith.index_cast %add3A_358 : i32 to index
        %get3A_364 = tpu.vector_load %arg14[%get3A_363] {strides = array<i32>} : memref<1024xf32, #tpu.memory_space<vmem>>, vector<16xf32>,
        %mul3A_365 = arith.mulf %get3A_362, %get3A_364 : vector<16xf32>
        %mul3A_366 = arith.mulf %mul3A_365, %get3A_318 : vector<16xf32>
        %add3A_367 = arith.addf %get3A_360, %mul3A_366 : vector<16xf32>
        %swap3A_368 = arith.index_cast %add3A_358 : i32 to index
        %swap3A_369 = tpu.vector_load %arg17[%swap3A_368] {strides = array<i32>} : memref<1024xf32, #tpu.memory_space<vmem>>, vector<16xf32>,
        tpu.vector_store %arg17[%swap3A_368], %add3A_367 {strides = array<i32>} : memref<1024xf32, #tpu.memory_space<vmem>>, vector<16xf32>,
        %mul3A_370 = arith.constant 128 : i32
        %mul3A_371 = arith.muli %scan3A_325, %mul3A_370 : i32
        %add3A_372 = arith.constant 48 : i32
        %add3A_373 = arith.addi %mul3A_371, %add3A_372 : i32
        %get3A_374 = arith.index_cast %add3A_373 : i32 to index
        %get3A_375 = tpu.vector_load %arg17[%get3A_374] {strides = array<i32>} : memref<1024xf32, #tpu.memory_space<vmem>>, vector<16xf32>,
        %get3A_376 = arith.index_cast %add3A_373 : i32 to index
        %get3A_377 = tpu.vector_load %arg13[%get3A_376] {strides = array<i32>} : memref<1024xf32, #tpu.memory_space<vmem>>, vector<16xf32>,
        %get3A_378 = arith.index_cast %add3A_373 : i32 to index
        %get3A_379 = tpu.vector_load %arg14[%get3A_378] {strides = array<i32>} : memref<1024xf32, #tpu.memory_space<vmem>>, vector<16xf32>,
        %mul3A_380 = arith.mulf %get3A_377, %get3A_379 : vector<16xf32>
        %mul3A_381 = arith.mulf %mul3A_380, %get3A_318 : vector<16xf32>
        %add3A_382 = arith.addf %get3A_375, %mul3A_381 : vector<16xf32>
        %swap3A_383 = arith.index_cast %add3A_373 : i32 to index
        %swap3A_384 = tpu.vector_load %arg17[%swap3A_383] {strides = array<i32>} : memref<1024xf32, #tpu.memory_space<vmem>>, vector<16xf32>,
        tpu.vector_store %arg17[%swap3A_383], %add3A_382 {strides = array<i32>} : memref<1024xf32, #tpu.memory_space<vmem>>, vector<16xf32>,
        %mul3A_385 = arith.constant 128 : i32
        %mul3A_386 = arith.muli %scan3A_325, %mul3A_385 : i32
        %add3A_387 = arith.constant 64 : i32
        %add3A_388 = arith.addi %mul3A_386, %add3A_387 : i32
        %get3A_389 = arith.index_cast %add3A_388 : i32 to index
        %get3A_390 = tpu.vector_load %arg17[%get3A_389] {strides = array<i32>} : memref<1024xf32, #tpu.memory_space<vmem>>, vector<16xf32>,
        %get3A_391 = arith.index_cast %add3A_388 : i32 to index
        %get3A_392 = tpu.vector_load %arg13[%get3A_391] {strides = array<i32>} : memref<1024xf32, #tpu.memory_space<vmem>>, vector<16xf32>,
        %get3A_393 = arith.index_cast %add3A_388 : i32 to index
        %get3A_394 = tpu.vector_load %arg14[%get3A_393] {strides = array<i32>} : memref<1024xf32, #tpu.memory_space<vmem>>, vector<16xf32>,
        %mul3A_395 = arith.mulf %get3A_392, %get3A_394 : vector<16xf32>
        %mul3A_396 = arith.mulf %mul3A_395, %get3A_318 : vector<16xf32>
        %add3A_397 = arith.addf %get3A_390, %mul3A_396 : vector<16xf32>
        %swap3A_398 = arith.index_cast %add3A_388 : i32 to index
        %swap3A_399 = tpu.vector_load %arg17[%swap3A_398] {strides = array<i32>} : memref<1024xf32, #tpu.memory_space<vmem>>, vector<16xf32>,
        tpu.vector_store %arg17[%swap3A_398], %add3A_397 {strides = array<i32>} : memref<1024xf32, #tpu.memory_space<vmem>>, vector<16xf32>,
        %mul3A_400 = arith.constant 128 : i32
        %mul3A_401 = arith.muli %scan3A_325, %mul3A_400 : i32
        %add3A_402 = arith.constant 80 : i32
        %add3A_403 = arith.addi %mul3A_401, %add3A_402 : i32
        %get3A_404 = arith.index_cast %add3A_403 : i32 to index
        %get3A_405 = tpu.vector_load %arg17[%get3A_404] {strides = array<i32>} : memref<1024xf32, #tpu.memory_space<vmem>>, vector<16xf32>,
        %get3A_406 = arith.index_cast %add3A_403 : i32 to index
        %get3A_407 = tpu.vector_load %arg13[%get3A_406] {strides = array<i32>} : memref<1024xf32, #tpu.memory_space<vmem>>, vector<16xf32>,
        %get3A_408 = arith.index_cast %add3A_403 : i32 to index
        %get3A_409 = tpu.vector_load %arg14[%get3A_408] {strides = array<i32>} : memref<1024xf32, #tpu.memory_space<vmem>>, vector<16xf32>,
        %mul3A_410 = arith.mulf %get3A_407, %get3A_409 : vector<16xf32>
        %mul3A_411 = arith.mulf %mul3A_410, %get3A_318 : vector<16xf32>
        %add3A_412 = arith.addf %get3A_405, %mul3A_411 : vector<16xf32>
        %swap3A_413 = arith.index_cast %add3A_403 : i32 to index
        %swap3A_414 = tpu.vector_load %arg17[%swap3A_413] {strides = array<i32>} : memref<1024xf32, #tpu.memory_space<vmem>>, vector<16xf32>,
        tpu.vector_store %arg17[%swap3A_413], %add3A_412 {strides = array<i32>} : memref<1024xf32, #tpu.memory_space<vmem>>, vector<16xf32>,
        %mul3A_415 = arith.constant 128 : i32
        %mul3A_416 = arith.muli %scan3A_325, %mul3A_415 : i32
        %add3A_417 = arith.constant 96 : i32
        %add3A_418 = arith.addi %mul3A_416, %add3A_417 : i32
        %get3A_419 = arith.index_cast %add3A_418 : i32 to index
        %get3A_420 = tpu.vector_load %arg17[%get3A_419] {strides = array<i32>} : memref<1024xf32, #tpu.memory_space<vmem>>, vector<16xf32>,
        %get3A_421 = arith.index_cast %add3A_418 : i32 to index
        %get3A_422 = tpu.vector_load %arg13[%get3A_421] {strides = array<i32>} : memref<1024xf32, #tpu.memory_space<vmem>>, vector<16xf32>,
        %get3A_423 = arith.index_cast %add3A_418 : i32 to index
        %get3A_424 = tpu.vector_load %arg14[%get3A_423] {strides = array<i32>} : memref<1024xf32, #tpu.memory_space<vmem>>, vector<16xf32>,
        %mul3A_425 = arith.mulf %get3A_422, %get3A_424 : vector<16xf32>
        %mul3A_426 = arith.mulf %mul3A_425, %get3A_318 : vector<16xf32>
        %add3A_427 = arith.addf %get3A_420, %mul3A_426 : vector<16xf32>
        %swap3A_428 = arith.index_cast %add3A_418 : i32 to index
        %swap3A_429 = tpu.vector_load %arg17[%swap3A_428] {strides = array<i32>} : memref<1024xf32, #tpu.memory_space<vmem>>, vector<16xf32>,
        tpu.vector_store %arg17[%swap3A_428], %add3A_427 {strides = array<i32>} : memref<1024xf32, #tpu.memory_space<vmem>>, vector<16xf32>,
        %mul3A_430 = arith.constant 128 : i32
        %mul3A_431 = arith.muli %scan3A_325, %mul3A_430 : i32
        %add3A_432 = arith.constant 112 : i32
        %add3A_433 = arith.addi %mul3A_431, %add3A_432 : i32
        %get3A_434 = arith.index_cast %add3A_433 : i32 to index
        %get3A_435 = tpu.vector_load %arg17[%get3A_434] {strides = array<i32>} : memref<1024xf32, #tpu.memory_space<vmem>>, vector<16xf32>,
        %get3A_436 = arith.index_cast %add3A_433 : i32 to index
        %get3A_437 = tpu.vector_load %arg13[%get3A_436] {strides = array<i32>} : memref<1024xf32, #tpu.memory_space<vmem>>, vector<16xf32>,
        %get3A_438 = arith.index_cast %add3A_433 : i32 to index
        %get3A_439 = tpu.vector_load %arg14[%get3A_438] {strides = array<i32>} : memref<1024xf32, #tpu.memory_space<vmem>>, vector<16xf32>,
        %mul3A_440 = arith.mulf %get3A_437, %get3A_439 : vector<16xf32>
        %mul3A_441 = arith.mulf %mul3A_440, %get3A_318 : vector<16xf32>
        %add3A_442 = arith.addf %get3A_435, %mul3A_441 : vector<16xf32>
        %swap3A_443 = arith.index_cast %add3A_433 : i32 to index
        %swap3A_444 = tpu.vector_load %arg17[%swap3A_443] {strides = array<i32>} : memref<1024xf32, #tpu.memory_space<vmem>>, vector<16xf32>,
        tpu.vector_store %arg17[%swap3A_443], %add3A_442 {strides = array<i32>} : memref<1024xf32, #tpu.memory_space<vmem>>, vector<16xf32>,
      }
      %scan3A_324 = arith.constant 8 : i32
    }
    %scan3A_14 = arith.constant 16 : i32
    %mul3A_15 = arith.constant 1024 : i32
    %mul3A_16 = arith.muli %arg1, %mul3A_15 : i32
    "tpu.region"() ({
      %run_scoped3A = tpu.sem_alloc : memref<!tpu.dma_semaphore, #tpu.memory_space<semaphore_mem>>
      %dma_start3A = arith.constant 0 : i32
      %dma_start3A_17 = tpu.memref_slice %arg8[%arg0, %dma_start3A] : memref<2x16384xf32, #tpu.memory_space<hbm>> -> memref<1x16384xf32, #tpu.memory_space<hbm>>
      %dma_start3A_18 = tpu.memref_squeeze %dma_start3A_17 : memref<1x16384xf32, #tpu.memory_space<hbm>> -> memref<16384xf32, #tpu.memory_space<hbm>>
      %dma_start3A_19 = tpu.memref_slice %dma_start3A_18[%mul3A_16] : memref<16384xf32, #tpu.memory_space<hbm>> -> memref<1024xf32, #tpu.memory_space<hbm>>
      %dma_start3A_20 = arith.constant 0 : i32
      %dma_start3A_21 = tpu.memref_slice %arg8[%arg0, %dma_start3A_20] : memref<2x16384xf32, #tpu.memory_space<hbm>> -> memref<1x16384xf32, #tpu.memory_space<hbm>>
      %dma_start3A_22 = tpu.memref_squeeze %dma_start3A_21 : memref<1x16384xf32, #tpu.memory_space<hbm>> -> memref<16384xf32, #tpu.memory_space<hbm>>
      %dma_start3A_23 = tpu.memref_slice %dma_start3A_22[%mul3A_16] : memref<16384xf32, #tpu.memory_space<hbm>> -> memref<1024xf32, #tpu.memory_space<hbm>>
      tpu.enqueue_dma source(%arg17 : memref<1024xf32, #tpu.memory_space<vmem>>) target(%dma_start3A_23 : memref<1024xf32, #tpu.memory_space<hbm>>) target_semaphore(%run_scoped3A : memref<!tpu.dma_semaphore, #tpu.memory_space<semaphore_mem>>)
      %dma_wait3A = arith.constant 0 : i32
      %dma_wait3A_24 = tpu.memref_slice %arg8[%arg0, %dma_wait3A] : memref<2x16384xf32, #tpu.memory_space<hbm>> -> memref<1x16384xf32, #tpu.memory_space<hbm>>
      %dma_wait3A_25 = tpu.memref_squeeze %dma_wait3A_24 : memref<1x16384xf32, #tpu.memory_space<hbm>> -> memref<16384xf32, #tpu.memory_space<hbm>>
      %dma_wait3A_26 = tpu.memref_slice %dma_wait3A_25[%mul3A_16] : memref<16384xf32, #tpu.memory_space<hbm>> -> memref<1024xf32, #tpu.memory_space<hbm>>
      %dma_wait3A_27 = arith.constant 0 : i32
      %dma_wait3A_28 = tpu.memref_slice %arg8[%arg0, %dma_wait3A_27] : memref<2x16384xf32, #tpu.memory_space<hbm>> -> memref<1x16384xf32, #tpu.memory_space<hbm>>
      %dma_wait3A_29 = tpu.memref_squeeze %dma_wait3A_28 : memref<1x16384xf32, #tpu.memory_space<hbm>> -> memref<16384xf32, #tpu.memory_space<hbm>>
      %dma_wait3A_30 = tpu.memref_slice %dma_wait3A_29[%mul3A_16] : memref<16384xf32, #tpu.memory_space<hbm>> -> memref<1024xf32, #tpu.memory_space<hbm>>
      tpu.wait_dma2 semaphore(%run_scoped3A : memref<!tpu.dma_semaphore, #tpu.memory_space<semaphore_mem>>) src(%arg17 : memref<1024xf32, #tpu.memory_space<vmem>>) dst(%dma_wait3A_30 : memref<1024xf32, #tpu.memory_space<hbm>>)
      tpu.yield
    }) : () -> ()
    return
  }
}

</mosaic_0001>

<sc_bundles>
// kernel: kernel.3.cloned.1.call-start
scs
__scs_entry_jumppad:
0x0: {  	(pc) =	sbr.rel $0x88, $3  }
0x1: {  	(tag) =	ssettag $0x0;
	lr =	simm.s32 $0x1  }
0x2: {  	[smem:$0x3F9B] =	sst lr;
	_ =	strace $0xD0000000  }
0x3: {  	_ = 	snop  }
0x4: {  	_ = 	snop  }
0x5: {  	_ = 	snop  }
0x6: {  	_ = 	snop  }
0x7: {  	_ = 	snop  }
__scs_overlays_trampoline_lowered:
0x8: {  	[smem:$0x3FAA] =	sst s0  }
0x9: {  	[smem:$0x3FAB] =	sst s1  }
0xa: {  	[smem:$0x3FAC] =	sst s2  }
0xb: {  	[smem:$0x3FAD] =	sst s3  }
0xc: {  	[smem:$0x3FAE] =	sst s4  }
0xd: {  	[smem:$0x3FAF] =	sst s5  }
0xe: {  	[smem:$0x3FB0] =	sst s6  }
0xf: {  	[smem:$0x3FB1] =	sst s7  }
0x10: {  	[smem:$0x3FB2] =	sst s8  }
0x11: {  	[smem:$0x3FB3] =	sst s9;
	s0 =	simm.s32 @!p0 $0x0  }
0x12: {  	s1 =	sld [smem:$0x3F99];
	s0 =	simm.s32 @p0 $0x1  }
0x13: {  	[smem:$0x3FB4] =	sst s0;
	s0 =	simm.s32 @!p1 $0x0  }
0x14: {  	s2 =	sld [smem:$0x3F98];
	s0 =	simm.s32 @p1 $0x1  }
0x15: {  	[smem:$0x3FB5] =	sst s0;
	s0 =	simm.s32 @!p2 $0x0  }
0x16: {  	s3 =	sld [smem:$0x3FDB];
	s0 =	simm.s32 @p2 $0x1  }
0x17: {  	s4 =	simm.s32 $0x1BF5;
	[smem:$0x3FB7] =	sst s0  }
0x18: {  	s0 =	sld [smem:$0x3F9A];
	_ =	swait.ge [sflag:s4], $0x0  }
0x19: {  	s7 =	sld [smem:$0x3F9B]  }
0x1a: {  	s8 =	sadd.s32 $0xFFFFE003, lr  }
0x1b: {  	s9 =	sadd.s32 $0xFFFFFEF7, lr;
	s5 =	simm.s32 $0xFFFFFFFF;
	p2 =	slt.u32 s8, $0xFFFFF086  }
0x1c: {  	p1 =	slt.u32 s9, $0xF7A;
	s5 =	simm.s32 @!p2 $0x0  }
0x1d: {  	s5 =	simm.s32 @p1 $0x1;
	p0 =	seq.s32 s7, s2  }
0x1e: {  	s7 =	smul.u32 @!p0 $0xF7A, s2;
	p2 =	seq.s32 @!p0 s5, $0x0  }
0x1f: {  	s9 =	smul.u32 $0xF7A, s1;
	s8 =	simm.s32 @!p0 $0x1BF5;
	p2 =	por !p2, p0  }
0x20: {  	[sflag:s8] =	ssyncset.s32 @!p0 $0xFFFFF086;
	s6 =	sadd.s32 @!p0 s3, s7;
	s7 =	simm.s32 @!p0 $0x108  }
0x21: {  	s3 =	sadd.s32 s3, s9;
	s6 =	sadd.s32 @!p0 $0x88, s6;
	s7 =	simm.s32 @p2 $0x1082  }
0x22: {  	[simem:s7], [sflag:s8] =	dma.local @!p0 [hbm:s6], $0xF7A  }
0x23: {  	s9 =	sor.u32 $0xD0000000, s2;
	s6 =	simm.s32 $0x108;
	_ =	swait.ge @!p0 [sflag:s8], $0x0  }
0x24: {  	s3 =	sadd.s32 $0x88, s3;
	s6 =	simm.s32 @!p1 $0x1082;
	[sflag:s4] =	ssyncset.s32 $0xFFFFF086  }
0x25: {  	[simem:s6], [sflag:s4] =	dma.local [hbm:s3], $0xF7A  }
0x26: {  	[smem:$0x3F9B] =	sst s1;
	(tag) =	ssettag s2;
	_ =	strace s9  }
0x27: {  	s1 =	sld [smem:$0x3FAB]  }
0x28: {  	s2 =	sld [smem:$0x3FAC]  }
0x29: {  	s4 =	sld [smem:$0x3FAE]  }
0x2a: {  	p0 =	seq.s32 s5, $0x0;
	s5 =	sld [smem:$0x3FAF]  }
0x2b: {  	s6 =	sld [smem:$0x3FB0]  }
0x2c: {  	s7 =	sld [smem:$0x3FB1]  }
0x2d: {  	s3 =	simm.s32 $0x108;
	s8 =	sld [smem:$0x3FB2]  }
0x2e: {  	s3 =	simm.s32 @!p0 $0x1082;
	s9 =	sld [smem:$0x3FB3]  }
0x2f: {  	lr =	sadd.s32 s0, s3;
	s0 =	sld [smem:$0x3FAA]  }
0x30: {  	s3 =	sld [smem:$0x3FAD]  }
0x31: {  	[smem:$0x3FB6] =	sst s10  }
0x32: {  	s10 =	sld [smem:$0x3FB4];
	_ =	sdelay $0x3  }
0x33: {  	p0 =	seq.s32 s10, $0x1;
	s10 =	sld [smem:$0x3FB6];
	_ =	sdelay $0x3  }
0x34: {  	[smem:$0x3FB6] =	sst s10  }
0x35: {  	s10 =	sld [smem:$0x3FB5];
	_ =	sdelay $0x3  }
0x36: {  	p1 =	seq.s32 s10, $0x1;
	s10 =	sld [smem:$0x3FB6];
	_ =	sdelay $0x3  }
0x37: {  	[smem:$0x3FB6] =	sst s10  }
0x38: {  	s10 =	sld [smem:$0x3FB7]  }
0x39: {  	_ = 	snop;
	(pc) =	sbr.ind lr, $3  }
0x3a: {  	_ = 	snop  }
0x3b: {  	_ = 	snop  }
0x3c: {  	p2 =	seq.s32 s10, $0x1;
	s10 =	sld [smem:$0x3FB6]  }
0x3d: {  	_ =	shalt  }
0x3e: {  	_ =	shalt  }
0x3f: {  	_ =	shalt  }
0x40: {  	_ =	shalt  }
0x41: {  	_ =	shalt  }
0x42: {  	_ =	shalt  }
0x43: {  	_ =	shalt  }
0x44: {  	_ =	shalt  }
0x45: {  	_ =	shalt  }
0x46: {  	_ =	shalt  }
0x47: {  	_ =	shalt  }
0x48: {  	_ =	shalt  }
0x49: {  	_ =	shalt  }
0x4a: {  	_ =	shalt  }
0x4b: {  	_ =	shalt  }
0x4c: {  	_ =	shalt  }
0x4d: {  	_ =	shalt  }
0x4e: {  	_ =	shalt  }
0x4f: {  	_ =	shalt  }
0x50: {  	_ =	shalt  }
0x51: {  	_ =	shalt  }
0x52: {  	_ =	shalt  }
0x53: {  	_ =	shalt  }
0x54: {  	_ =	shalt  }
0x55: {  	_ =	shalt  }
0x56: {  	_ =	shalt  }
0x57: {  	_ =	shalt  }
0x58: {  	_ =	shalt  }
0x59: {  	_ =	shalt  }
0x5a: {  	_ =	shalt  }
0x5b: {  	_ =	shalt  }
0x5c: {  	_ =	shalt  }
0x5d: {  	_ =	shalt  }
0x5e: {  	_ =	shalt  }
0x5f: {  	_ =	shalt  }
0x60: {  	_ =	shalt  }
0x61: {  	_ =	shalt  }
0x62: {  	_ =	shalt  }
0x63: {  	_ =	shalt  }
0x64: {  	_ =	shalt  }
0x65: {  	_ =	shalt  }
0x66: {  	_ =	shalt  }
0x67: {  	_ =	shalt  }
0x68: {  	_ =	shalt  }
0x69: {  	_ =	shalt  }
0x6a: {  	_ =	shalt  }
0x6b: {  	_ =	shalt  }
0x6c: {  	_ =	shalt  }
0x6d: {  	_ =	shalt  }
0x6e: {  	_ =	shalt  }
0x6f: {  	_ =	shalt  }
0x70: {  	_ =	shalt  }
0x71: {  	_ =	shalt  }
0x72: {  	_ =	shalt  }
0x73: {  	_ =	shalt  }
0x74: {  	_ =	shalt  }
0x75: {  	_ =	shalt  }
0x76: {  	_ =	shalt  }
0x77: {  	_ =	shalt  }
0x78: {  	_ =	shalt  }
0x79: {  	_ =	shalt  }
0x7a: {  	_ =	shalt  }
0x7b: {  	_ =	shalt  }
0x7c: {  	_ =	shalt  }
0x7d: {  	_ =	shalt  }
0x7e: {  	_ =	shalt  }
0x7f: {  	_ =	shalt  }
0x80: {  	_ =	shalt  }
0x81: {  	_ =	shalt  }
0x82: {  	_ =	shalt  }
0x83: {  	_ =	shalt  }
0x84: {  	_ =	shalt  }
0x85: {  	_ =	shalt  }
0x86: {  	_ =	shalt  }
0x87: {  	_ =	shalt  }
.Lfunc_end0:
.L_simem_size_0:
called_computation_lowered:
.L_overlay_start_0:
0x88: {  	s2 =	sld [smem:$0x3FD9]  }
0x89: {  	s3 =	sld [smem:$0x3FFE];
	_ =	sdelay $0x1  }
0x8a: {  	s1 =	srdreg.scid  }
0x8b: {  	s0 =	sand.u32 $0x1, s1  }
0x8c: {  	s17 =	sshll.u32 s0, $0xA;
	s2 =	sadd.s32 s3, s2  }
0x8d: {  	s2 =	sadd.s32 s2, s17  }
0x8e: {  	[smem:$0x3FC2] =	sst s2  }
0x8f: {  	_ = 	snop  }
0x90: {  	s2 =	sld [smem:$0x3FC9]  }
0x91: {  	s18 =	sld [smem:$0x3FC8]  }
0x92: {  	s4 =	sld [smem:$0x3FC7]  }
0x93: {  	s5 =	sld [smem:$0x3FC6]  }
0x94: {  	s6 =	sld [smem:$0x3FD0];
	(tm) =	ssettm $0x1  }
0x95: {  	s7 =	sld [smem:$0x3FFB];
	_ =	sdelay $0x3  }
0x96: {  	_ =	strace s7  }
0x97: {  	s7 =	sld [smem:$0x3FFC];
	_ =	sdelay $0x3  }
0x98: {  	_ =	strace s7  }
0x99: {  	s7 =	sld [smem:$0x3FFD];
	_ =	sdelay $0x3  }
0x9a: {  	_ =	strace s7  }
0x9b: {  	_ =	strace $0x8FFFFFFF  }
0x9c: {  	s19 =	sld [smem:$0x3FDB];
	_ =	sdelay $0x1  }
0x9d: {  	s8 =	simm.s32 $_scs_section_size  }
0x9e: {  	s9 =	simm.s32 $_size__tile_overlayer_lowered;
	s10 =	simm.s32 $_tile_overlayer_lowered  }
0x9f: {  	s22 =	simm.s32 $0x1BFF;
	s21 =	sshll.u32 s10, $0x1;
	s7 =	sadd.s32 s8, s19  }
0xa0: {  	s11 =	simm.s32 $0x0;
	s20 =	sshll.u32 s9, $0x1;
	s9 =	sadd.s32 s21, s7  }
0xa1: {  	[timem:s11], [sflag:s22] =	dma.local [hbm:s9], s20  }
0xa2: {  	_ =	swait.ge [sflag:s22], s20  }
0xa3: {  	s8 =	ssub.s32 $0x0, s20;
	[sflag:s22] =	ssyncset.done $0x0  }
0xa4: {  	[sflag:s22] =	ssyncadd.s32 s8;
	_ =	sdelay $0x1  }
0xa5: {  	s23 =	simm.s32 $0x1B8B  }
0xa6: {  	_ =	swait.ge [sflag:s23], $0x1  }
0xa7: {  	[sflag:s23] =	ssyncset.done $0x0  }
0xa8: {  	s25 =	simm.s32 $0x1B8E;
	s24 =	sld [smem:$0x3FFE];
	[sflag:s23] =	ssyncadd.s32 $0xFFFFFFFF  }
0xa9: {  	s26 =	simm.s32 $execute0_lowered;
	[smem:$0x3FD2] =	sst s25  }
0xaa: {  	s9 =	sshll.u32 s26, $0x1;
	_ =	strace $0x80000046;
	[dreg:$0x1] =	wrdreg $0xFFFFFFFF  }
0xab: {  	s28 =	simm.s32 $_size_execute0_lowered;
	s7 =	sadd.s32 s7, s9;
	[dreg:$0x0] =	wrdreg $0x0  }
0xac: {  	s9 =	sshll.u32 s28, $0x1;
	[dreg:$0x2] =	wrdreg s7  }
0xad: {  	[dreg:$0x3] =	wrdreg s9  }
0xae: {  	[dreg:$0x4] =	wrdreg $0xC0  }
0xaf: {  	_ =	task [dreg:s11], $0x5FFFF  }
0xb0: {  	[dreg:$0x1] =	wrdreg $0xFFFFFFFF  }
0xb1: {  	[dreg:$0x0] =	wrdreg $0x60  }
0xb2: {  	[dreg:$0x2] =	wrdreg s2  }
0xb3: {  	[dreg:$0x3] =	wrdreg s18  }
0xb4: {  	[dreg:$0x4] =	wrdreg s4  }
0xb5: {  	[dreg:$0x5] =	wrdreg s5  }
0xb6: {  	[dreg:$0x6] =	wrdreg s6  }
0xb7: {  	[dreg:$0x7] =	wrdreg s24  }
0xb8: {  	[dreg:$0x8] =	wrdreg $0x0  }
0xb9: {  	[dreg:$0x9] =	wrdreg $0xF4280  }
0xba: {  	[dreg:$0xa] =	wrdreg $0x9  }
0xbb: {  	_ =	task.clear_ibuf [dreg:s11], $0xBFFFF;
	_ =	strace $0x90000046  }
0xbc: {  	s29 =	simm.s32 $0x9;
	_ =	strace $0x80000048  }
0xbd: {  	_ =	swait.ge [sflag:s29], $0x1  }
0xbe: {  	[sflag:s29] =	ssyncadd.s32 $0xFFFFFFFF  }
0xbf: {  	_ =	strace $0x90000048  }
0xc0: {  	_ =	sfence  }
0xc1: {  	s30 =	sld [smem:$0x0];
	_ =	sdelay $0x2  }
0xc2: {  	s31 =	sshll.u32 s1, $0xD;
	s1 =	sshrl.u32 s1, $0x2  }
0xc3: {  	s3 =	sand.u32 $0x4000, s31;
	s1 =	sadd.s32 s1, s30  }
0xc4: {  	s0 =	sor.u32 s3, s0;
	s1 =	sshll.u32 s1, $0x11  }
0xc5: {  	s0 =	sor.u32 s1, s0  }
0xc6: {  	s0 =	sadd.s32 $0x8F2B, s0  }
0xc7: {  	[sflag:s0] =	ssyncadd.remote.s32 $0x1  }
0xc8: {  	_ =	sfence.sel $0xFFFF  }
0xc9: {  	[dreg:$0x0] =	wrdreg $0xFFFFFFFF;
	(pc) =	sbr.abs _section_cstart, $3  }
0xca: {  	[dreg:$0x1] =	wrdreg $0xFFFFFFFF  }
0xcb: {  	_ =	task.clear_ibuf [dreg:s11], $0x2FFFF;
	_ =	strace $0x9FFFFFFF  }
0xcc: {  	(tm) =	ssettm $0x7FFFFFFF  }
0xcd: {  	_ =	shalt  }
tec
execute0_lowered:
.L_overlay_start_1:
0x0: {  	(tag) =	ssettag $0x1  }
0x1: {  	s0 =	rddreg [dreg:$0x0]  }
0x2: {  	s1 =	rddreg [dreg:$0x1]  }
0x3: {  	s2 =	rddreg [dreg:$0x5]  }
0x4: {  	s4 =	rddreg [dreg:$0x6]  }
0x5: {  	s5 =	rddreg [dreg:$0x7]  }
0x6: {  	s6 =	simm.s32 $0x0;
	s3 =	srdreg.scid;
	s8 =	stileid.u32  }
0x7: {  	s10 =	simm.s32 $0x2;
	s18 =	simm.s32 $0x1;
	s21 =	simm.s32 $0x80  }
0x8: {  	s11 =	simm.s32 $0x11A98;
	s12 =	simm.s32 $0x10E98;
	s14 =	simm.s32 $0x11B18  }
0x9: {  	s13 =	simm.s32 $0x11398;
	s22 =	simm.s32 $0x11B98;
	s15 =	simm.s32 $0x10F98  }
0xa: {  	s28 =	simm.s32 $0x11018;
	s29 =	simm.s32 $0x11818;
	[smem:$0x7FF] =	sst s6  }
0xb: {  	s3 =	sand.u32 $0x1, s3;
	s23 =	sadd.s32 $0x400, s2;
	s25 =	sshll.u32 s8, $0x7  }
0xc: {  	s30 =	sshll.u32 s8, $0x8;
	_ =	strace $0x80000047;
	[dreg:$0x9] =	wrdreg s23  }
0xd: {  	s24 =	ssub.s32 $0x2, s3;
	s9 =	sshll.u32 s3, $0x4;
	s0 =	sadd.s32 s0, s25  }
0xe: {  	p0 =	seq.s32 s3, $0x0;
	s1 =	sadd.s32 s1, s25;
	s23 =	simm.s32 $0x11698  }
0xf: {  	s25 =	simm.s32 $0x11418;
	s3 =	simm.s32 $0x0;
	s7 =	sshrl.u32 s24, $0x1  }
0x10: {  	s2 =	sadd.s32 s9, s2;
	[dreg:$0xa] =	wrdreg s0;
	s0 =	simm.f32 $1.000000000e+00  }
0x11: {  	[dreg:$0xb] =	wrdreg s1;
	s6 =	ssub.s32 s24, s7;
	s0 =	simm.s32 @!p0 $0x0  }
0x12: {  	s26 =	sadd.s32 $0x600, s2;
	p0 =	seq.s32 s8, $0x1;
	s2 =	simm.s32 $0x11718  }
0x13: {  	s24 =	simm.s32 $0x11798;
	s31 =	smax.u32 s6, $0x1;
	p1 =	sne.s32 @!p0 s8, $0x0  }
0x14: {  	s19 =	sshrl.u32 @p0 s5, $0x3;
	s1 =	sadd.s32 s30, s26;
	s6 =	simm.s32 $0x11318  }
0x15: {  	s26 =	simm.s32 $0x11C18;
	[dreg:$0xc] =	wrdreg s31;
	p1 =	por p1, p0  }
0x16: {  	v0 =	vmov s0;
	[dreg:$0xd] =	wrdreg s1;
	s1 =	simm.s32 $0x10F18;
	s20 =	sshrl.u32 @!p1 s4, $0x3  }
.LBB2_1:
0x17: {  	[dreg:$0xe] =	wrdreg s3  }
0x18: {  	s3 =	simm.s32 $0x0;
	s0 =	rddreg [dreg:$0xa];
	s7 =	simm.s32 $0x10C98  }
0x19: {  	[tilespmem:s7], [sflag:$0x2] =	stream.linear.gather [hbm4b:s0+s3], $0x400, $0x38;
	[tilespmem:$0x13118] =	vst v63  }
0x1a: {  	_ =	swait.ge [sflag:s10], $0x400  }
0x1b: {  	[sflag:s10] =	ssyncset.done $0x0  }
0x1c: {  	s31 =	simm.s32 $0x11098;
	s17 =	rddreg [dreg:$0xb];
	[sflag:s10] =	ssyncadd.s32 $0xFFFFFC00  }
0x1d: {  	[tilespmem:s31], [sflag:$0x2] =	stream.linear.gather [hbm4b:s17+s3], $0x400, $0x38;
	[tilespmem:$0x13118] =	vst v63  }
0x1e: {  	_ =	swait.ge [sflag:s10], $0x400  }
0x1f: {  	[sflag:s10] =	ssyncset.done $0x0  }
0x20: {  	[sflag:s10] =	ssyncadd.s32 $0xFFFFFC00  }
0x21: {  	s16 =	simm.s32 $0x11C98;
	s8 =	rddreg [dreg:$0x4]  }
0x22: {  	[tilespmem:s16], [sflag:$0x2] =	stream.linear.gather [hbm4b:s8+s3], $0x1000, $0x38;
	[tilespmem:$0x13118] =	vst v63  }
0x23: {  	_ =	swait.ge [sflag:s10], $0x1000  }
0x24: {  	[sflag:s10] =	ssyncset.done $0x0  }
0x25: {  	s31 =	simm.s32 $0x12C98;
	s17 =	rddreg [dreg:$0x9];
	[sflag:s10] =	ssyncadd.s32 $0xFFFFF000  }
0x26: {  	[tilespmem:s31], [sflag:$0x2] =	stream.linear.gather [hbm4b:s17+s3], $0x80, $0x38;
	[tilespmem:$0x13118] =	vst v63  }
0x27: {  	_ =	swait.ge [sflag:s10], $0x80  }
0x28: {  	[sflag:s10] =	ssyncset.done $0x0  }
0x29: {  	[sflag:s10] =	ssyncadd.s32 $0xFFFFFF80  }
0x2a: {  	v1 =	vld [tilespmem:$0x12C98];
	_ =	sdelay $0x4  }
0x2b: {  	v1 =	vmul.f32 v1, v0  }
0x2c: {  	s30 =	simm.s32 $0x0;
	s0 =	simm.s32 $0x40  }
.LBB2_2:
0x2d: {  	p2 =	sne.s32 s0, $0xFC0;
	[tilespmem:s30+$0x12D18] =	vst v1;
	s30 =	smov.u32 s0;
	s0 =	sadd.s32 $0x40, s0  }
.Ltmp0:
0x2e: {  	(pc) =	sbr.rel @p2 .LBB2_2-.Ltmp0, $2  }
0x2f: {  	_ =	sdelay $0x2  }
0x30: {  	s30 =	sshra.s32 s30, $0x2  }
0x31: {  	[tilespmem:s30+$0x12D18] =	vst v1;
	s30 =	simm.s32 $0x0  }
.LBB2_4:
0x32: {  	s31 =	sadd.s32 s9, s30;
	s0 =	sand.u32 $0x7, s30  }
0x33: {  	p2 =	seq.s32 s31, $0x0;
	p3 =	sne.s32 s0, $0x0  }
0x34: {  	p2 =	por !p2, !p3  }
0x35: {  	s7 =	simm.s32 $0x1;
	p2 =	por !p2, !p2  }
0x36: {  	s3 =	sshrl.u32 s31, $0x3;
	s7 =	simm.s32 @!p2 $0x0  }
0x37: {  	s3 =	ssub.s32 s3, s7  }
0x38: {  	s7 =	smul.u32 @p0 $0xC3800, s3  }
0x39: {  	s16 =	sshll.u32 @p0 s0, $0x7  }
0x3a: {  	s8 =	rddreg [dreg:$0x2];
	s7 =	sor.u32 @p0 s16, s7  }
0x3b: {  	s17 =	simm.s32 @p0 $0x10;
	s10 =	simm.s32 @p0 $0x1C42;
	s7 =	sshrl.u32 @p0 s7, $0x3  }
0x3c: {  	s16 =	simm.s32 @p0 $0x1;
	s7 =	sadd.s32 @p0 s8, s7;
	s8 =	simm.s32 @p0 $0x80  }
0x3d: {  	[spmem:s19@s17], [sflag:s10] =	dma.strided @p0 [hbm:s7@s8], $0x30E0, s16, $0x10   }
0x3e: {  	s3 =	smul.u32 @!p1 $0x7A1400, s3;
	s7 =	simm.s32 @p0 $0x2  }
0x3f: {  	s0 =	sshll.u32 @!p1 s0, $0x7;
	_ =	swait.ge @p0 [sflag:s7], $0x30E0  }
0x40: {  	s0 =	sor.u32 @!p1 s0, s3;
	[sflag:s7] =	ssyncset.done @p0 $0x0  }
0x41: {  	s0 =	sshrl.u32 @!p1 s0, $0x3;
	[sflag:s7] =	ssyncadd.s32 @p0 $0xFFFFCF20  }
0x42: {  	s8 =	simm.s32 @!p1 $0x80;
	s10 =	simm.s32 @!p1 $0x1C02;
	s3 =	rddreg [dreg:$0x3]  }
0x43: {  	s7 =	simm.s32 @!p1 $0x10;
	s0 =	sadd.s32 @!p1 s3, s0;
	s3 =	simm.s32 @!p1 $0x1  }
0x44: {  	[spmem:s20@s7], [sflag:s10] =	dma.strided @!p1 [hbm:s0@s8], $0x1E850, s3, $0x10   }
0x45: {  	s0 =	simm.s32 @!p1 $0x2  }
0x46: {  	_ =	swait.ge @!p1 [sflag:s0], $0x1E850  }
0x47: {  	[sflag:s0] =	ssyncset.done @!p1 $0x0  }
0x48: {  	[sflag:s0] =	ssyncadd.s32 @!p1 $0xFFFE17B0  }
0x49: {  	s3 =	simm.s32 $0x11098;
	s7 =	simm.s32 $0x11898;
	[bflag:$0x0] =	sbarrier.arrive $0xFFFF  }
0x4a: {  	[tilespmem:s7], [sflag:$0x1] =	stream.indirect.gather [spmem:s4], $0x1, s3, s21, $0xb8;
	[tilespmem:$0x13118] =	vst v63  }
0x4b: {  	s8 =	simm.s32 $0x10C98;
	s10 =	simm.s32 $0x11498  }
0x4c: {  	[tilespmem:s10], [sflag:$0x1] =	stream.indirect.gather [spmem:s5], $0x1, s8, s21, $0xb8;
	[tilespmem:$0x13118] =	vst v63  }
0x4d: {  	s16 =	simm.s32 $0x11118;
	s17 =	simm.s32 $0x11918  }
0x4e: {  	[tilespmem:s17], [sflag:$0x1] =	stream.indirect.gather [spmem:s4], $0x1, s16, s21, $0xb8;
	[tilespmem:$0x13118] =	vst v63  }
0x4f: {  	s3 =	simm.s32 $0x10D18;
	s7 =	simm.s32 $0x11518  }
0x50: {  	[tilespmem:s7], [sflag:$0x1] =	stream.indirect.gather [spmem:s5], $0x1, s3, s21, $0xb8;
	[tilespmem:$0x13118] =	vst v63  }
0x51: {  	s8 =	simm.s32 $0x11198;
	s10 =	simm.s32 $0x11998  }
0x52: {  	[tilespmem:s10], [sflag:$0x1] =	stream.indirect.gather [spmem:s4], $0x1, s8, s21, $0xb8;
	[tilespmem:$0x13118] =	vst v63  }
0x53: {  	s16 =	simm.s32 $0x10D98;
	s17 =	simm.s32 $0x11598  }
0x54: {  	[tilespmem:s17], [sflag:$0x1] =	stream.indirect.gather [spmem:s5], $0x1, s16, s21, $0xb8;
	[tilespmem:$0x13118] =	vst v63  }
0x55: {  	s3 =	simm.s32 $0x11218;
	s7 =	simm.s32 $0x11A18  }
0x56: {  	[tilespmem:s7], [sflag:$0x1] =	stream.indirect.gather [spmem:s4], $0x1, s3, s21, $0xb8;
	[tilespmem:$0x13118] =	vst v63  }
0x57: {  	s8 =	simm.s32 $0x10E18;
	s10 =	simm.s32 $0x11618  }
0x58: {  	[tilespmem:s10], [sflag:$0x1] =	stream.indirect.gather [spmem:s5], $0x1, s8, s21, $0xb8;
	[tilespmem:$0x13118] =	vst v63  }
0x59: {  	s16 =	simm.s32 $0x11298  }
0x5a: {  	[tilespmem:s11], [sflag:$0x1] =	stream.indirect.gather [spmem:s4], $0x1, s16, s21, $0xb8;
	[tilespmem:$0x13118] =	vst v63  }
0x5b: {  	_ = 	snop  }
0x5c: {  	[tilespmem:s23], [sflag:$0x1] =	stream.indirect.gather [spmem:s5], $0x1, s12, s21, $0xb8;
	[tilespmem:$0x13118] =	vst v63  }
0x5d: {  	_ = 	snop  }
0x5e: {  	[tilespmem:s14], [sflag:$0x1] =	stream.indirect.gather [spmem:s4], $0x1, s6, s21, $0xb8;
	[tilespmem:$0x13118] =	vst v63  }
0x5f: {  	_ = 	snop  }
0x60: {  	[tilespmem:s2], [sflag:$0x1] =	stream.indirect.gather [spmem:s5], $0x1, s1, s21, $0xb8;
	[tilespmem:$0x13118] =	vst v63  }
0x61: {  	_ = 	snop  }
0x62: {  	[tilespmem:s22], [sflag:$0x1] =	stream.indirect.gather [spmem:s4], $0x1, s13, s21, $0xb8;
	[tilespmem:$0x13118] =	vst v63  }
0x63: {  	_ = 	snop  }
0x64: {  	[tilespmem:s24], [sflag:$0x1] =	stream.indirect.gather [spmem:s5], $0x1, s15, s21, $0xb8;
	[tilespmem:$0x13118] =	vst v63  }
0x65: {  	_ = 	snop  }
0x66: {  	[tilespmem:s26], [sflag:$0x1] =	stream.indirect.gather [spmem:s4], $0x1, s25, s21, $0xb8;
	[tilespmem:$0x13118] =	vst v63  }
0x67: {  	_ = 	snop  }
0x68: {  	[tilespmem:s29], [sflag:$0x1] =	stream.indirect.gather [spmem:s5], $0x1, s28, s21, $0xb8;
	[tilespmem:$0x13118] =	vst v63  }
0x69: {  	_ =	swait.ge [sflag:s18], $0x80  }
0x6a: {  	[sflag:s18] =	ssyncset.done $0x0  }
0x6b: {  	[sflag:s18] =	ssyncadd.s32 $0xFFFFFF80  }
0x6c: {  	_ =	swait.ge [sflag:s18], $0x80  }
0x6d: {  	[sflag:s18] =	ssyncset.done $0x0  }
0x6e: {  	[sflag:s18] =	ssyncadd.s32 $0xFFFFFF80  }
0x6f: {  	_ =	swait.ge [sflag:s18], $0x80  }
0x70: {  	[sflag:s18] =	ssyncset.done $0x0  }
0x71: {  	[sflag:s18] =	ssyncadd.s32 $0xFFFFFF80  }
0x72: {  	_ =	swait.ge [sflag:s18], $0x80  }
0x73: {  	[sflag:s18] =	ssyncset.done $0x0  }
0x74: {  	[sflag:s18] =	ssyncadd.s32 $0xFFFFFF80  }
0x75: {  	_ =	swait.ge [sflag:s18], $0x80  }
0x76: {  	[sflag:s18] =	ssyncset.done $0x0  }
0x77: {  	[sflag:s18] =	ssyncadd.s32 $0xFFFFFF80  }
0x78: {  	_ =	swait.ge [sflag:s18], $0x80  }
0x79: {  	[sflag:s18] =	ssyncset.done $0x0  }
0x7a: {  	[sflag:s18] =	ssyncadd.s32 $0xFFFFFF80  }
0x7b: {  	_ =	swait.ge [sflag:s18], $0x80  }
0x7c: {  	[sflag:s18] =	ssyncset.done $0x0  }
0x7d: {  	[sflag:s18] =	ssyncadd.s32 $0xFFFFFF80  }
0x7e: {  	_ =	swait.ge [sflag:s18], $0x80  }
0x7f: {  	[sflag:s18] =	ssyncset.done $0x0  }
0x80: {  	[sflag:s18] =	ssyncadd.s32 $0xFFFFFF80  }
0x81: {  	_ =	swait.ge [sflag:s18], $0x80  }
0x82: {  	[sflag:s18] =	ssyncset.done $0x0  }
0x83: {  	[sflag:s18] =	ssyncadd.s32 $0xFFFFFF80  }
0x84: {  	_ =	swait.ge [sflag:s18], $0x80  }
0x85: {  	[sflag:s18] =	ssyncset.done $0x0  }
0x86: {  	[sflag:s18] =	ssyncadd.s32 $0xFFFFFF80  }
0x87: {  	_ =	swait.ge [sflag:s18], $0x80  }
0x88: {  	[sflag:s18] =	ssyncset.done $0x0  }
0x89: {  	[sflag:s18] =	ssyncadd.s32 $0xFFFFFF80  }
0x8a: {  	_ =	swait.ge [sflag:s18], $0x80  }
0x8b: {  	[sflag:s18] =	ssyncset.done $0x0  }
0x8c: {  	[sflag:s18] =	ssyncadd.s32 $0xFFFFFF80  }
0x8d: {  	_ =	swait.ge [sflag:s18], $0x80  }
0x8e: {  	[sflag:s18] =	ssyncset.done $0x0  }
0x8f: {  	[sflag:s18] =	ssyncadd.s32 $0xFFFFFF80  }
0x90: {  	_ =	swait.ge [sflag:s18], $0x80  }
0x91: {  	[sflag:s18] =	ssyncset.done $0x0  }
0x92: {  	[sflag:s18] =	ssyncadd.s32 $0xFFFFFF80  }
0x93: {  	_ =	swait.ge [sflag:s18], $0x80  }
0x94: {  	[sflag:s18] =	ssyncset.done $0x0  }
0x95: {  	[sflag:s18] =	ssyncadd.s32 $0xFFFFFF80  }
0x96: {  	_ =	swait.ge [sflag:s18], $0x80  }
0x97: {  	[sflag:s18] =	ssyncset.done $0x0  }
0x98: {  	s17 =	sshll.u32 s31, $0x7;
	[sflag:s18] =	ssyncadd.s32 $0xFFFFFF80  }
0x99: {  	s0 =	sand.u32 $0x3FFFFF80, s17;
	[bflag:$0x0] =	sbarrier.arrive $0xFFFF  }
0x9a: {  	s31 =	simm.s32 $0x0;
	v1 =	vld [tilespmem:s0+$0x11C98]  }
0x9b: {  	v14 =	vld [tilespmem:s31+$0x11498]  }
0x9c: {  	v17 =	vld [tilespmem:s31+$0x11898]  }
0x9d: {  	v19 =	vld [tilespmem:s31+$0x114A8]  }
0x9e: {  	v20 =	vld [tilespmem:s31+$0x118A8]  }
0x9f: {  	v7 =	vld [tilespmem:s31+$0x114B8]  }
0xa0: {  	v12 =	vld [tilespmem:s31+$0x118B8]  }
0xa1: {  	v10 =	vld [tilespmem:s31+$0x114C8]  }
0xa2: {  	v13 =	vld [tilespmem:s31+$0x118C8]  }
0xa3: {  	v8 =	vld [tilespmem:s31+$0x114D8]  }
0xa4: {  	v11 =	vld [tilespmem:s31+$0x118D8]  }
0xa5: {  	v6 =	vld [tilespmem:s31+$0x114E8]  }
0xa6: {  	v9 =	vld [tilespmem:s31+$0x118E8]  }
0xa7: {  	v4 =	vld [tilespmem:s31+$0x114F8]  }
0xa8: {  	v5 =	vld [tilespmem:s31+$0x118F8]  }
0xa9: {  	v2 =	vld [tilespmem:s31+$0x11508]  }
0xaa: {  	v3 =	vld [tilespmem:s31+$0x11908]  }
0xab: {  	v16 =	vld [tilespmem:s31+$0x12D18]  }
0xac: {  	v15 =	vld [tilespmem:s31+$0x12D28];
	v18 =	vmul.f32 v17, v14  }
0xad: {  	s0 =	simm.s32 $0x200;
	v17 =	vmul.f32 v20, v19;
	v14 =	vld [tilespmem:s31+$0x12D38]  }
.LBB2_5:
0xae: {  	p2 =	sne.s32 s0, $0xE00;
	v18 =	vmul.f32 v18, v1;
	v7 =	vmul.f32 v12, v7;
	v12 =	vld [tilespmem:s31+$0x12D48]  }
0xaf: {  	v10 =	vmul.f32 v13, v10;
	v17 =	vmul.f32 v17, v1;
	v13 =	vld [tilespmem:s31+$0x12D58]  }
0xb0: {  	v8 =	vmul.f32 v11, v8;
	v16 =	vadd.f32 v18, v16;
	v7 =	vmul.f32 v7, v1;
	v11 =	vld [tilespmem:s31+$0x12D68]  }
0xb1: {  	v6 =	vmul.f32 v9, v6;
	v10 =	vmul.f32 v10, v1;
	v15 =	vadd.f32 v17, v15;
	v9 =	vld [tilespmem:s31+$0x12D78]  }
0xb2: {  	s3 =	sshra.s32 s0, $0x2;
	v4 =	vmul.f32 v5, v4;
	v8 =	vmul.f32 v8, v1;
	[tilespmem:s31+$0x12D18] =	vst v16;
	v7 =	vadd.f32 v7, v14;
	v5 =	vld [tilespmem:s31+$0x12D88]  }
0xb3: {  	v2 =	vmul.f32 v3, v2;
	v6 =	vmul.f32 v6, v1;
	v14 =	vld [tilespmem:s3+$0x11498];
	[tilespmem:s31+$0x12D28] =	vst v15;
	v10 =	vadd.f32 v10, v12  }
0xb4: {  	v4 =	vmul.f32 v4, v1;
	v15 =	vld [tilespmem:s3+$0x11898];
	[tilespmem:s31+$0x12D38] =	vst v7;
	v3 =	vadd.f32 v8, v13  }
0xb5: {  	v2 =	vmul.f32 v2, v1;
	v17 =	vld [tilespmem:s3+$0x114A8];
	[tilespmem:s31+$0x12D48] =	vst v10;
	v6 =	vadd.f32 v6, v11  }
0xb6: {  	v19 =	vld [tilespmem:s3+$0x118A8];
	[tilespmem:s31+$0x12D58] =	vst v3;
	v3 =	vadd.f32 v4, v9  }
0xb7: {  	v7 =	vld [tilespmem:s3+$0x114B8];
	[tilespmem:s31+$0x12D68] =	vst v6;
	v2 =	vadd.f32 v2, v5  }
0xb8: {  	v12 =	vld [tilespmem:s3+$0x118B8];
	[tilespmem:s31+$0x12D78] =	vst v3  }
0xb9: {  	v10 =	vld [tilespmem:s3+$0x114C8];
	[tilespmem:s31+$0x12D88] =	vst v2;
	s31 =	smov.u32 s3  }
0xba: {  	v13 =	vld [tilespmem:s31+$0x118C8]  }
0xbb: {  	v8 =	vld [tilespmem:s31+$0x114D8]  }
0xbc: {  	v11 =	vld [tilespmem:s31+$0x118D8]  }
0xbd: {  	v6 =	vld [tilespmem:s31+$0x114E8]  }
0xbe: {  	v9 =	vld [tilespmem:s31+$0x118E8]  }
0xbf: {  	v4 =	vld [tilespmem:s31+$0x114F8]  }
0xc0: {  	v5 =	vld [tilespmem:s31+$0x118F8]  }
.Ltmp1:
0xc1: {  	v2 =	vld [tilespmem:s31+$0x11508];
	(pc) =	sbr.rel @p2 .LBB2_5-.Ltmp1, $4  }
0xc2: {  	v3 =	vld [tilespmem:s31+$0x11908]  }
0xc3: {  	v16 =	vld [tilespmem:s31+$0x12D18]  }
0xc4: {  	v18 =	vmul.f32 v15, v14;
	v15 =	vld [tilespmem:s31+$0x12D28]  }
0xc5: {  	s0 =	sadd.s32 $0x200, s0;
	v17 =	vmul.f32 v19, v17;
	v14 =	vld [tilespmem:s31+$0x12D38]  }
0xc6: {  	v18 =	vmul.f32 v18, v1;
	v19 =	vld [tilespmem:s31+$0x12D48];
	v7 =	vmul.f32 v12, v7  }
0xc7: {  	v58 =	vld [tilespmem:s31+$0x12D58];
	v10 =	vmul.f32 v13, v10;
	v59 =	vmul.f32 v17, v1  }
0xc8: {  	v60 =	vld [tilespmem:s31+$0x12D68];
	v8 =	vmul.f32 v11, v8;
	v16 =	vadd.f32 v18, v16;
	v7 =	vmul.f32 v7, v1  }
0xc9: {  	v61 =	vld [tilespmem:s31+$0x12D78];
	v6 =	vmul.f32 v9, v6;
	v10 =	vmul.f32 v10, v1;
	v13 =	vadd.f32 v59, v15  }
0xca: {  	v4 =	vmul.f32 v5, v4;
	v62 =	vld [tilespmem:s31+$0x12D88];
	v8 =	vmul.f32 v8, v1;
	[tilespmem:s31+$0x12D18] =	vst v16;
	v7 =	vadd.f32 v7, v14  }
0xcb: {  	s30 =	sadd.s32 $0x1, s30;
	v2 =	vmul.f32 v3, v2;
	v6 =	vmul.f32 v6, v1;
	[tilespmem:s31+$0x12D28] =	vst v13;
	v63 =	vadd.f32 v10, v19  }
0xcc: {  	p2 =	sne.s32 s30, $0x10;
	v4 =	vmul.f32 v4, v1;
	v3 =	vadd.f32 v8, v58;
	[tilespmem:s31+$0x12D38] =	vst v7  }
.Ltmp2:
0xcd: {  	v1 =	vmul.f32 v2, v1;
	v6 =	vadd.f32 v6, v60;
	[tilespmem:s31+$0x12D48] =	vst v63;
	(pc) =	sbr.rel @p2 .LBB2_4-.Ltmp2, $4  }
0xce: {  	v2 =	vadd.f32 v4, v61;
	[tilespmem:s31+$0x12D58] =	vst v3  }
0xcf: {  	v1 =	vadd.f32 v1, v62;
	[tilespmem:s31+$0x12D68] =	vst v6  }
0xd0: {  	[tilespmem:s31+$0x12D78] =	vst v2  }
0xd1: {  	[tilespmem:s31+$0x12D88] =	vst v1  }
0xd2: {  	s0 =	rddreg [dreg:$0xd]  }
0xd3: {  	s3 =	simm.s32 $0x100;
	s7 =	simm.s32 $0x12D18;
	s10 =	simm.s32 $0x2  }
0xd4: {  	[hbm4b:s0+s21] =	stream.strided.scatter [tilespmem:s7], [sflag:$0x2], $0x400, s3, s21, $0x38;
	[tilespmem:$0x13118] =	vst v63  }
0xd5: {  	_ =	swait.ge [sflag:s10], $0x400  }
0xd6: {  	s30 =	rddreg [dreg:$0xe]  }
0xd7: {  	s31 =	rddreg [dreg:$0xc];
	s3 =	sadd.s32 $0x1, s30  }
0xd8: {  	p2 =	sne.s32 s3, s31  }
.Ltmp3:
0xd9: {  	_ = 	snop;
	(pc) =	sbr.rel @p2 .LBB2_1-.Ltmp3, $3  }
0xda: {  	_ =	sdelay $0x1  }
0xdb: {  	[sflag:s10] =	ssyncset.done $0x0  }
0xdc: {  	[sflag:s10] =	ssyncadd.s32 $0xFFFFFC00  }
0xdd: {  	_ =	sfence.sel $0x180000  }
0xde: {  	[bflag:$0x0] =	sbarrier.arrive $0xFFFF  }
0xdf: {  	_ =	strace $0x90000047  }
0xe0: {  	s0 =	stileid.u32;
	[bflag:$0x2] =	sbarrier.arrive $0xFFFF  }
0xe1: {  	p0 =	sne.s32 s0, $0x0;
	s0 =	rddreg [dreg:$0x8]  }
0xe2: {  	s0 =	sadd.s32 @!p0 $0x100000, s0  }
0xe3: {  	[sflag:s0] =	ssyncadd.tile.s32 @!p0 $0x1;
	_ =	shalt  }
.Lfunc_end2:
_tile_overlayer_lowered:
.L_overlay_start_2:
0xe4: {  	(tag) =	ssettag $0x2  }
0xe5: {  	s0 =	rddreg [dreg:$0x0];
	s2 =	stileid.u32  }
0xe6: {  	s1 =	rddreg [dreg:$0x1];
	p0 =	sne.s32 s2, $0x0  }
0xe7: {  	s3 =	rddreg [dreg:$0x2];
	[bflag:$0x3] =	sbarrier.arrive $0xFFFF;
	s2 =	simm.s32 @!p0 $0x1C02  }
0xe8: {  	[timem:s3], [sflag:s2] =	dma.local @!p0 [hbm:s0], s1  }
0xe9: {  	s0 =	simm.s32 @!p0 $0x2  }
0xea: {  	_ =	swait.ge @!p0 [sflag:s0], s1  }
0xeb: {  	s1 =	ssub.s32 @!p0 $0x0, s1;
	[sflag:s0] =	ssyncset.done @!p0 $0x0  }
0xec: {  	[sflag:s0] =	ssyncadd.s32 @!p0 s1  }
0xed: {  	[bflag:$0x3] =	sbarrier.arrive $0xFFFF  }
0xee: {  	_ =	shalt  }

</sc_bundles>
